<compile_context>
chip_gen: v7x
topology: tpu7x:2x2x1
jax: 0.10.2.dev20260603
libtpu: 0.0.44.dev20260713+nightly
codegen_flags: <defaults>
</compile_context>

<pallas_src>
import functools

import jax
import jax.numpy as jnp
from jax import lax
from jax.experimental import pallas as pl
from jax.experimental.pallas import tpu as pltpu
from jax.experimental.pallas import tpu_sc as plsc

N = 10000
D_FEAT = 128
HIDDEN = 32
CODE = 16
E = 160000

NC = 2
NS = 16
NW = NC * NS
EPW = E // NW
CH = 125
NCH = EPW // CH
NP = 10240
RPS = NP // NS

def _mesh():
  return plsc.VectorSubcoreMesh(
      core_axis_name="c", subcore_axis_name="s", num_cores=NC, num_subcores=NS)


@functools.lru_cache(maxsize=None)
def _make_degree_kernel():
  @functools.partial(
      pl.kernel,
      out_type=jax.ShapeDtypeStruct((NC, NP, 16), jnp.float32),
      mesh=_mesh(),
      scratch_types=[
          pltpu.VMEM((NCH, CH), jnp.int32),
          pltpu.VMEM((CH, 16), jnp.float32),
          pltpu.VMEM_SHARED((NP, 16), jnp.float32),
          pltpu.SemaphoreType.DMA,
      ],
      compiler_params=pltpu.CompilerParams(use_tc_tiling_on_sc=False),
  )
  def k(dst_hbm, ones_hbm, zero_hbm, out_hbm, dst_v, ones_v, acc, sem):
    cid = lax.axis_index("c")
    sid = lax.axis_index("s")
    wid = cid * NS + sid
    pltpu.sync_copy(zero_hbm.at[pl.ds(sid * RPS, RPS)],
                    acc.at[pl.ds(sid * RPS, RPS)])
    pltpu.sync_copy(dst_hbm.at[wid], dst_v)
    pltpu.sync_copy(ones_hbm, ones_v)
    plsc.subcore_barrier()

    def fire(j, carry):
      pltpu.async_copy(ones_v, acc.at[dst_v.at[j]], sem, add=True)
      return carry

    lax.fori_loop(0, NCH, fire, 0)

    def drain(j, carry):
      pltpu.make_async_copy(zero_hbm.at[pl.ds(0, CH)], ones_v, sem).wait()
      return carry

    lax.fori_loop(0, NCH, drain, 0)
    plsc.subcore_barrier()
    pltpu.sync_copy(acc.at[pl.ds(sid * RPS, RPS)],
                    out_hbm.at[cid, pl.ds(sid * RPS, RPS)])

  return k


@functools.lru_cache(maxsize=None)
def _make_segsum_kernel(F):
  @functools.partial(
      pl.kernel,
      out_type=jax.ShapeDtypeStruct((NC, NP, F), jnp.float32),
      mesh=_mesh(),
      scratch_types=[
          pltpu.VMEM((NCH, CH), jnp.int32),
          pltpu.VMEM((NCH, CH), jnp.int32),
          pltpu.VMEM((CH, F), jnp.float32),
          pltpu.VMEM((CH, F), jnp.float32),
          pltpu.VMEM((CH, F), jnp.float32),
          pltpu.VMEM((CH, F), jnp.float32),
          pltpu.VMEM_SHARED((NP, F), jnp.float32),
          pltpu.SemaphoreType.DMA,
          pltpu.SemaphoreType.DMA,
      ],
      compiler_params=pltpu.CompilerParams(use_tc_tiling_on_sc=False),
  )
  def k(g_hbm, src_hbm, dst_hbm, zero_hbm, out_hbm,
        src_v, dst_v, rows0, rows1, rows2, rows3, acc, gsem, ssem):
    cid = lax.axis_index("c")
    sid = lax.axis_index("s")
    wid = cid * NS + sid
    pltpu.sync_copy(zero_hbm.at[pl.ds(sid * RPS, RPS)],
                    acc.at[pl.ds(sid * RPS, RPS)])
    pltpu.sync_copy(src_hbm.at[wid], src_v)
    pltpu.sync_copy(dst_hbm.at[wid], dst_v)
    plsc.subcore_barrier()

    bufs = (rows0, rows1, rows2, rows3)

    def gstart(j, buf):
      pltpu.async_copy(g_hbm.at[src_v.at[j]], buf, gsem)

    def gwait(buf):
      pltpu.make_async_copy(g_hbm.at[pl.ds(0, CH)], buf, gsem).wait()

    def scat(j, buf):
      pltpu.sync_copy(buf, acc.at[dst_v.at[j]], add=True)

    gstart(0, bufs[0])
    gstart(1, bufs[1])
    gstart(2, bufs[2])
    gwait(bufs[0])
    gstart(3, bufs[3])
    scat(0, bufs[0])

    def quad(k4, carry):
      j0 = 4 * k4
      for b in (1, 2, 3, 0):
        j = j0 + b if b else j0 + 4
        gwait(bufs[b])
        gstart(j + 3, bufs[(b + 3) % 4])
        scat(j, bufs[b])
      return carry

    lax.fori_loop(0, (NCH - 4) // 4, quad, 0)
    for j, b in ((NCH - 3, 1), (NCH - 2, 2), (NCH - 1, 3)):
      gwait(bufs[b])
      scat(j, bufs[b])
    plsc.subcore_barrier()
    pltpu.sync_copy(acc.at[pl.ds(sid * RPS, RPS)],
                    out_hbm.at[cid, pl.ds(sid * RPS, RPS)])

  return k


_RB = 1000


def _dinv_from(degp_ref):
  deg = degp_ref[0, :, 0] + degp_ref[1, :, 0] + 1.0
  return lax.rsqrt(jnp.maximum(deg, 1.0))


def _prep1_body(degp_ref, x_ref, w1_ref, out_ref):
  dinv = _dinv_from(degp_ref)
  g = jnp.dot(x_ref[...], w1_ref[...], preferred_element_type=jnp.float32)
  out_ref[...] = g * dinv[:, None]


def _prep2_body(degp_ref, g1_ref, p1_ref, w2_ref, out_ref):
  dinv = _dinv_from(degp_ref)
  s = g1_ref[...] + p1_ref[0] + p1_ref[1]
  h = jnp.maximum(s * dinv[:, None], 0.0)
  g2 = jnp.dot(h, w2_ref[...], preferred_element_type=jnp.float32)
  out_ref[...] = g2 * dinv[:, None]


def _enc_body(degp_ref, g2_ref, p2_ref, out_ref):
  dinv = _dinv_from(degp_ref)
  out_ref[...] = (g2_ref[...] + p2_ref[0] + p2_ref[1]) * dinv[:, None]


_BM = 200


def _dec_body(ei_ref, ej_ref, out_ref):
  z = lax.dot_general(ei_ref[...], ej_ref[...], (((1,), (1,)), ((), ())),
                      preferred_element_type=jnp.float32)
  out_ref[...] = 0.5 * jnp.tanh(z * 0.5) + 0.5


def kernel(x, edge_index, W1, W2):
  src3 = edge_index[0].reshape(NW, NCH, CH)
  dst3 = edge_index[1].reshape(NW, NCH, CH)
  zeros16 = jnp.zeros((NP, 16), jnp.float32)
  zeros32 = jnp.zeros((NP, HIDDEN), jnp.float32)
  ones = jnp.ones((CH, 16), jnp.float32)

  degp = _make_degree_kernel()(dst3, ones, zeros16)

  g1 = pl.pallas_call(
      _prep1_body,
      grid=(N // _RB,),
      in_specs=[
          pl.BlockSpec((NC, _RB, 16), lambda i: (0, i, 0)),
          pl.BlockSpec((_RB, D_FEAT), lambda i: (i, 0)),
          pl.BlockSpec((D_FEAT, HIDDEN), lambda i: (0, 0)),
      ],
      out_specs=pl.BlockSpec((_RB, HIDDEN), lambda i: (i, 0)),
      out_shape=jax.ShapeDtypeStruct((N, HIDDEN), jnp.float32),
  )(degp, x, W1)

  p1 = _make_segsum_kernel(HIDDEN)(g1, src3, dst3, zeros32)

  g2 = pl.pallas_call(
      _prep2_body,
      grid=(N // _RB,),
      in_specs=[
          pl.BlockSpec((NC, _RB, 16), lambda i: (0, i, 0)),
          pl.BlockSpec((_RB, HIDDEN), lambda i: (i, 0)),
          pl.BlockSpec((NC, _RB, HIDDEN), lambda i: (0, i, 0)),
          pl.BlockSpec((HIDDEN, CODE), lambda i: (0, 0)),
      ],
      out_specs=pl.BlockSpec((_RB, CODE), lambda i: (i, 0)),
      out_shape=jax.ShapeDtypeStruct((N, CODE), jnp.float32),
  )(degp, g1, p1, W2)

  p2 = _make_segsum_kernel(CODE)(g2, src3, dst3, zeros16)

  encoded = pl.pallas_call(
      _enc_body,
      grid=(N // _RB,),
      in_specs=[
          pl.BlockSpec((NC, _RB, 16), lambda i: (0, i, 0)),
          pl.BlockSpec((_RB, CODE), lambda i: (i, 0)),
          pl.BlockSpec((NC, _RB, CODE), lambda i: (0, i, 0)),
      ],
      out_specs=pl.BlockSpec((_RB, CODE), lambda i: (i, 0)),
      out_shape=jax.ShapeDtypeStruct((N, CODE), jnp.float32),
  )(degp, g2, p2)

  prediction = pl.pallas_call(
      _dec_body,
      grid=(N // _BM,),
      in_specs=[
          pl.BlockSpec((_BM, CODE), lambda i: (i, 0)),
          pl.BlockSpec((N, CODE), lambda i: (0, 0)),
      ],
      out_specs=pl.BlockSpec((_BM, N), lambda i: (i, 0)),
      out_shape=jax.ShapeDtypeStruct((N, N), jnp.float32),
      compiler_params=pltpu.CompilerParams(
          dimension_semantics=("arbitrary",)),
  )(encoded, encoded)

  return prediction

# --- scband reference (transcript-rebuilt; emitter-appended) ---
"""Pipeline reference for scband-gcnautoencoder-32040456028319 (READ-ONLY COPY).

The authoritative reference and input builder live on the scoring server;
editing this copy changes nothing except your own understanding.
"""

import jax, jax.numpy as jnp
import numpy as np

N = 10000
D_FEAT = 128
HIDDEN = 32
CODE = 16
E = 160000


def setup_inputs(seed: int = 0) -> dict:
    key = jax.random.key(seed)
    k1, k2, k3, k4 = jax.random.split(key, 4)
    x = jax.random.normal(k1, (N, D_FEAT), dtype=jnp.float32)
    edge_index = jax.random.randint(k2, (2, E), 0, N, dtype=jnp.int32)
    # KipfAndWillingConv filters: [in_dim, out_dim], glorot-style scale
    W1 = jax.random.normal(k3, (D_FEAT, HIDDEN), dtype=jnp.float32) * (1.0 / np.sqrt(D_FEAT))
    W2 = jax.random.normal(k4, (HIDDEN, CODE), dtype=jnp.float32) * (1.0 / np.sqrt(HIDDEN))
    return {"x": x, "edge_index": edge_index, "W1": W1, "W2": W2}


def _gcn_norm(edge_index, num_nodes):
    # Sparse form of D^{-1/2} (A + I) D^{-1/2} (KipfAndWillingConv.compute_transform)
    src, dst = edge_index[0], edge_index[1]
    loop = jnp.arange(num_nodes, dtype=src.dtype)
    src = jnp.concatenate([src, loop])
    dst = jnp.concatenate([dst, loop])
    deg = jax.ops.segment_sum(jnp.ones(src.shape[0], dtype=jnp.float32), dst, num_segments=num_nodes)
    dinv = jax.lax.rsqrt(jnp.maximum(deg, 1.0))
    norm = dinv[src] * dinv[dst]
    return src, dst, norm


def _conv(h, W, src, dst, norm, num_nodes):
    # transform @ (x @ W): gather along src, weight, scatter-add into dst
    hw = h @ W
    msg = hw[src] * norm[:, None]
    return jax.ops.segment_sum(msg, dst, num_segments=num_nodes)


def reference(x, edge_index, W1, W2):
    num_nodes = x.shape[0]
    src, dst, norm = _gcn_norm(edge_index, num_nodes)
    hidden = _conv(x, W1, src, dst, norm, num_nodes)
    hidden = jax.nn.relu(hidden)
    # dropout p=0.5 is identity in eval mode
    encoded = _conv(hidden, W2, src, dst, norm, num_nodes)
    # l.decode: inner-product decoder -> sigmoid(Z Z^T)
    prediction = jax.nn.sigmoid(encoded @ encoded.T)
    return prediction

if __name__ == "__main__":
    import jax
    _d = setup_inputs()
    print(jax.jit(kernel)(*tuple(_d.values())))

</pallas_src>

<mosaic_0001>
#map = affine_map<(d0, d1) -> (0, 0)>
#map1 = affine_map<(d0, d1) -> (0, 0, 0)>
module attributes {stable_mosaic.version = 14 : i64} {
  func.func @k(%arg0: i32, %arg1: i32, %arg2: memref<10000x32xf32, #tpu.memory_space<hbm>>, %arg3: memref<32x40x125xi32, #tpu.memory_space<hbm>>, %arg4: memref<32x40x125xi32, #tpu.memory_space<hbm>>, %arg5: memref<10240x32xf32, #tpu.memory_space<hbm>>, %arg6: memref<2x10240x32xf32, #tpu.memory_space<hbm>>, %arg7: memref<40x125xi32, #tpu.memory_space<vmem>>, %arg8: memref<40x125xi32, #tpu.memory_space<vmem>>, %arg9: memref<125x32xf32, #tpu.memory_space<vmem>>, %arg10: memref<125x32xf32, #tpu.memory_space<vmem>>, %arg11: memref<125x32xf32, #tpu.memory_space<vmem>>, %arg12: memref<125x32xf32, #tpu.memory_space<vmem>>, %arg13: memref<10240x32xf32, #tpu.memory_space<vmem_shared>>, %arg14: memref<!tpu.dma_semaphore, #tpu.memory_space<semaphore_mem>>, %arg15: memref<!tpu.dma_semaphore, #tpu.memory_space<semaphore_mem>>) attributes {dimension_semantics = [#tpu.dimension_semantics<core_parallel>, #tpu.dimension_semantics<subcore_parallel>], iteration_bounds = array<i64: 2, 16>, scalar_prefetch = 0 : i64, scratch_operands = 9 : i64, tpu.core_type = #tpu.core_type<sc_vector_subcore>, window_params = [{transform_indices = #map}, {transform_indices = #map1}, {transform_indices = #map1}, {transform_indices = #map}, {transform_indices = #map1}]} {
    %mul3A = arith.constant 16 : i32
    %mul3A_0 = arith.muli %arg0, %mul3A : i32
    %add3A = arith.addi %mul3A_0, %arg1 : i32
    %mul3A_1 = arith.constant 640 : i32
    %mul3A_2 = arith.muli %arg1, %mul3A_1 : i32
    %mul3A_3 = arith.constant 640 : i32
    %mul3A_4 = arith.muli %arg1, %mul3A_3 : i32
    "tpu.region"() ({
      %run_scoped3A_68 = tpu.sem_alloc : memref<!tpu.dma_semaphore, #tpu.memory_space<semaphore_mem>>
      %dma_start3A_69 = arith.constant 0 : i32
      %dma_start3A_70 = tpu.memref_slice %arg13[%mul3A_4, %dma_start3A_69] : memref<10240x32xf32, #tpu.memory_space<vmem_shared>> -> memref<640x32xf32, #tpu.memory_space<vmem_shared>>
      %dma_start3A_71 = arith.constant 0 : i32
      %dma_start3A_72 = tpu.memref_slice %arg5[%mul3A_2, %dma_start3A_71] : memref<10240x32xf32, #tpu.memory_space<hbm>> -> memref<640x32xf32, #tpu.memory_space<hbm>>
      tpu.enqueue_dma source(%dma_start3A_72 : memref<640x32xf32, #tpu.memory_space<hbm>>) target(%dma_start3A_70 : memref<640x32xf32, #tpu.memory_space<vmem_shared>>) target_semaphore(%run_scoped3A_68 : memref<!tpu.dma_semaphore, #tpu.memory_space<semaphore_mem>>)
      %dma_wait3A_73 = arith.constant 0 : i32
      %dma_wait3A_74 = tpu.memref_slice %arg13[%mul3A_4, %dma_wait3A_73] : memref<10240x32xf32, #tpu.memory_space<vmem_shared>> -> memref<640x32xf32, #tpu.memory_space<vmem_shared>>
      %dma_wait3A_75 = arith.constant 0 : i32
      %dma_wait3A_76 = tpu.memref_slice %arg5[%mul3A_2, %dma_wait3A_75] : memref<10240x32xf32, #tpu.memory_space<hbm>> -> memref<640x32xf32, #tpu.memory_space<hbm>>
      tpu.wait_dma2 semaphore(%run_scoped3A_68 : memref<!tpu.dma_semaphore, #tpu.memory_space<semaphore_mem>>) src(%dma_wait3A_76 : memref<640x32xf32, #tpu.memory_space<hbm>>) dst(%dma_wait3A_74 : memref<640x32xf32, #tpu.memory_space<vmem_shared>>)
      tpu.yield
    }) : () -> ()
    "tpu.region"() ({
      %run_scoped3A_68 = tpu.sem_alloc : memref<!tpu.dma_semaphore, #tpu.memory_space<semaphore_mem>>
      %dma_start3A_69 = arith.constant 0 : i32
      %dma_start3A_70 = arith.constant 0 : i32
      %dma_start3A_71 = tpu.memref_slice %arg3[%add3A, %dma_start3A_69, %dma_start3A_70] : memref<32x40x125xi32, #tpu.memory_space<hbm>> -> memref<1x40x125xi32, #tpu.memory_space<hbm>>
      %dma_start3A_72 = tpu.memref_squeeze %dma_start3A_71 : memref<1x40x125xi32, #tpu.memory_space<hbm>> -> memref<40x125xi32, #tpu.memory_space<hbm>>
      %dma_start3A_73 = arith.constant 0 : i32
      %dma_start3A_74 = arith.constant 0 : i32
      %dma_start3A_75 = tpu.memref_slice %arg3[%add3A, %dma_start3A_73, %dma_start3A_74] : memref<32x40x125xi32, #tpu.memory_space<hbm>> -> memref<1x40x125xi32, #tpu.memory_space<hbm>>
      %dma_start3A_76 = tpu.memref_squeeze %dma_start3A_75 : memref<1x40x125xi32, #tpu.memory_space<hbm>> -> memref<40x125xi32, #tpu.memory_space<hbm>>
      tpu.enqueue_dma source(%dma_start3A_76 : memref<40x125xi32, #tpu.memory_space<hbm>>) target(%arg7 : memref<40x125xi32, #tpu.memory_space<vmem>>) target_semaphore(%run_scoped3A_68 : memref<!tpu.dma_semaphore, #tpu.memory_space<semaphore_mem>>)
      %dma_wait3A_77 = arith.constant 0 : i32
      %dma_wait3A_78 = arith.constant 0 : i32
      %dma_wait3A_79 = tpu.memref_slice %arg3[%add3A, %dma_wait3A_77, %dma_wait3A_78] : memref<32x40x125xi32, #tpu.memory_space<hbm>> -> memref<1x40x125xi32, #tpu.memory_space<hbm>>
      %dma_wait3A_80 = tpu.memref_squeeze %dma_wait3A_79 : memref<1x40x125xi32, #tpu.memory_space<hbm>> -> memref<40x125xi32, #tpu.memory_space<hbm>>
      %dma_wait3A_81 = arith.constant 0 : i32
      %dma_wait3A_82 = arith.constant 0 : i32
      %dma_wait3A_83 = tpu.memref_slice %arg3[%add3A, %dma_wait3A_81, %dma_wait3A_82] : memref<32x40x125xi32, #tpu.memory_space<hbm>> -> memref<1x40x125xi32, #tpu.memory_space<hbm>>
      %dma_wait3A_84 = tpu.memref_squeeze %dma_wait3A_83 : memref<1x40x125xi32, #tpu.memory_space<hbm>> -> memref<40x125xi32, #tpu.memory_space<hbm>>
      tpu.wait_dma2 semaphore(%run_scoped3A_68 : memref<!tpu.dma_semaphore, #tpu.memory_space<semaphore_mem>>) src(%dma_wait3A_84 : memref<40x125xi32, #tpu.memory_space<hbm>>) dst(%arg7 : memref<40x125xi32, #tpu.memory_space<vmem>>)
      tpu.yield
    }) : () -> ()
    "tpu.region"() ({
      %run_scoped3A_68 = tpu.sem_alloc : memref<!tpu.dma_semaphore, #tpu.memory_space<semaphore_mem>>
      %dma_start3A_69 = arith.constant 0 : i32
      %dma_start3A_70 = arith.constant 0 : i32
      %dma_start3A_71 = tpu.memref_slice %arg4[%add3A, %dma_start3A_69, %dma_start3A_70] : memref<32x40x125xi32, #tpu.memory_space<hbm>> -> memref<1x40x125xi32, #tpu.memory_space<hbm>>
      %dma_start3A_72 = tpu.memref_squeeze %dma_start3A_71 : memref<1x40x125xi32, #tpu.memory_space<hbm>> -> memref<40x125xi32, #tpu.memory_space<hbm>>
      %dma_start3A_73 = arith.constant 0 : i32
      %dma_start3A_74 = arith.constant 0 : i32
      %dma_start3A_75 = tpu.memref_slice %arg4[%add3A, %dma_start3A_73, %dma_start3A_74] : memref<32x40x125xi32, #tpu.memory_space<hbm>> -> memref<1x40x125xi32, #tpu.memory_space<hbm>>
      %dma_start3A_76 = tpu.memref_squeeze %dma_start3A_75 : memref<1x40x125xi32, #tpu.memory_space<hbm>> -> memref<40x125xi32, #tpu.memory_space<hbm>>
      tpu.enqueue_dma source(%dma_start3A_76 : memref<40x125xi32, #tpu.memory_space<hbm>>) target(%arg8 : memref<40x125xi32, #tpu.memory_space<vmem>>) target_semaphore(%run_scoped3A_68 : memref<!tpu.dma_semaphore, #tpu.memory_space<semaphore_mem>>)
      %dma_wait3A_77 = arith.constant 0 : i32
      %dma_wait3A_78 = arith.constant 0 : i32
      %dma_wait3A_79 = tpu.memref_slice %arg4[%add3A, %dma_wait3A_77, %dma_wait3A_78] : memref<32x40x125xi32, #tpu.memory_space<hbm>> -> memref<1x40x125xi32, #tpu.memory_space<hbm>>
      %dma_wait3A_80 = tpu.memref_squeeze %dma_wait3A_79 : memref<1x40x125xi32, #tpu.memory_space<hbm>> -> memref<40x125xi32, #tpu.memory_space<hbm>>
      %dma_wait3A_81 = arith.constant 0 : i32
      %dma_wait3A_82 = arith.constant 0 : i32
      %dma_wait3A_83 = tpu.memref_slice %arg4[%add3A, %dma_wait3A_81, %dma_wait3A_82] : memref<32x40x125xi32, #tpu.memory_space<hbm>> -> memref<1x40x125xi32, #tpu.memory_space<hbm>>
      %dma_wait3A_84 = tpu.memref_squeeze %dma_wait3A_83 : memref<1x40x125xi32, #tpu.memory_space<hbm>> -> memref<40x125xi32, #tpu.memory_space<hbm>>
      tpu.wait_dma2 semaphore(%run_scoped3A_68 : memref<!tpu.dma_semaphore, #tpu.memory_space<semaphore_mem>>) src(%dma_wait3A_84 : memref<40x125xi32, #tpu.memory_space<hbm>>) dst(%arg8 : memref<40x125xi32, #tpu.memory_space<vmem>>)
      tpu.yield
    }) : () -> ()
    %barrier3A = arith.constant 0 : index
    tpu.barrier barrier_id(%barrier3A)
    %dma_start3A = arith.constant 0 : i32
    %dma_start3A_5 = arith.constant 0 : i32
    %dma_start3A_6 = tpu.memref_slice %arg7[%dma_start3A, %dma_start3A_5] : memref<40x125xi32, #tpu.memory_space<vmem>> -> memref<1x125xi32, #tpu.memory_space<vmem>>
    %dma_start3A_7 = tpu.memref_squeeze %dma_start3A_6 : memref<1x125xi32, #tpu.memory_space<vmem>> -> memref<125xi32, #tpu.memory_space<vmem>>
    %dma_start3A_8 = arith.constant 0 : i32
    %dma_start3A_9 = arith.constant 0 : i32
    %dma_start3A_10 = tpu.memref_slice %arg2[%dma_start3A_8, %dma_start3A_9] : memref<10000x32xf32, #tpu.memory_space<hbm>> -> memref<10000x32xf32, #tpu.memory_space<hbm>>
    tpu.enqueue_indirect_dma source(%dma_start3A_10 : memref<10000x32xf32, #tpu.memory_space<hbm>>) target(%arg9 : memref<125x32xf32, #tpu.memory_space<vmem>>) offsets(%dma_start3A_7 : memref<125xi32, #tpu.memory_space<vmem>>) semaphore(%arg14 : memref<!tpu.dma_semaphore, #tpu.memory_space<semaphore_mem>>)
    %dma_start3A_11 = arith.constant 1 : i32
    %dma_start3A_12 = arith.constant 0 : i32
    %dma_start3A_13 = tpu.memref_slice %arg7[%dma_start3A_11, %dma_start3A_12] : memref<40x125xi32, #tpu.memory_space<vmem>> -> memref<1x125xi32, #tpu.memory_space<vmem>>
    %dma_start3A_14 = tpu.memref_squeeze %dma_start3A_13 : memref<1x125xi32, #tpu.memory_space<vmem>> -> memref<125xi32, #tpu.memory_space<vmem>>
    %dma_start3A_15 = arith.constant 0 : i32
    %dma_start3A_16 = arith.constant 0 : i32
    %dma_start3A_17 = tpu.memref_slice %arg2[%dma_start3A_15, %dma_start3A_16] : memref<10000x32xf32, #tpu.memory_space<hbm>> -> memref<10000x32xf32, #tpu.memory_space<hbm>>
    tpu.enqueue_indirect_dma source(%dma_start3A_17 : memref<10000x32xf32, #tpu.memory_space<hbm>>) target(%arg10 : memref<125x32xf32, #tpu.memory_space<vmem>>) offsets(%dma_start3A_14 : memref<125xi32, #tpu.memory_space<vmem>>) semaphore(%arg14 : memref<!tpu.dma_semaphore, #tpu.memory_space<semaphore_mem>>)
    %dma_start3A_18 = arith.constant 2 : i32
    %dma_start3A_19 = arith.constant 0 : i32
    %dma_start3A_20 = tpu.memref_slice %arg7[%dma_start3A_18, %dma_start3A_19] : memref<40x125xi32, #tpu.memory_space<vmem>> -> memref<1x125xi32, #tpu.memory_space<vmem>>
    %dma_start3A_21 = tpu.memref_squeeze %dma_start3A_20 : memref<1x125xi32, #tpu.memory_space<vmem>> -> memref<125xi32, #tpu.memory_space<vmem>>
    %dma_start3A_22 = arith.constant 0 : i32
    %dma_start3A_23 = arith.constant 0 : i32
    %dma_start3A_24 = tpu.memref_slice %arg2[%dma_start3A_22, %dma_start3A_23] : memref<10000x32xf32, #tpu.memory_space<hbm>> -> memref<10000x32xf32, #tpu.memory_space<hbm>>
    tpu.enqueue_indirect_dma source(%dma_start3A_24 : memref<10000x32xf32, #tpu.memory_space<hbm>>) target(%arg11 : memref<125x32xf32, #tpu.memory_space<vmem>>) offsets(%dma_start3A_21 : memref<125xi32, #tpu.memory_space<vmem>>) semaphore(%arg14 : memref<!tpu.dma_semaphore, #tpu.memory_space<semaphore_mem>>)
    %dma_wait3A = arith.constant 0 : i32
    %dma_wait3A_25 = arith.constant 0 : i32
    %dma_wait3A_26 = tpu.memref_slice %arg2[%dma_wait3A, %dma_wait3A_25] : memref<10000x32xf32, #tpu.memory_space<hbm>> -> memref<125x32xf32, #tpu.memory_space<hbm>>
    %dma_wait3A_27 = arith.constant 0 : i32
    %dma_wait3A_28 = arith.constant 0 : i32
    %dma_wait3A_29 = tpu.memref_slice %arg2[%dma_wait3A_27, %dma_wait3A_28] : memref<10000x32xf32, #tpu.memory_space<hbm>> -> memref<125x32xf32, #tpu.memory_space<hbm>>
    tpu.wait_dma2 semaphore(%arg14 : memref<!tpu.dma_semaphore, #tpu.memory_space<semaphore_mem>>) src(%dma_wait3A_29 : memref<125x32xf32, #tpu.memory_space<hbm>>) dst(%arg9 : memref<125x32xf32, #tpu.memory_space<vmem>>)
    %dma_start3A_30 = arith.constant 3 : i32
    %dma_start3A_31 = arith.constant 0 : i32
    %dma_start3A_32 = tpu.memref_slice %arg7[%dma_start3A_30, %dma_start3A_31] : memref<40x125xi32, #tpu.memory_space<vmem>> -> memref<1x125xi32, #tpu.memory_space<vmem>>
    %dma_start3A_33 = tpu.memref_squeeze %dma_start3A_32 : memref<1x125xi32, #tpu.memory_space<vmem>> -> memref<125xi32, #tpu.memory_space<vmem>>
    %dma_start3A_34 = arith.constant 0 : i32
    %dma_start3A_35 = arith.constant 0 : i32
    %dma_start3A_36 = tpu.memref_slice %arg2[%dma_start3A_34, %dma_start3A_35] : memref<10000x32xf32, #tpu.memory_space<hbm>> -> memref<10000x32xf32, #tpu.memory_space<hbm>>
    tpu.enqueue_indirect_dma source(%dma_start3A_36 : memref<10000x32xf32, #tpu.memory_space<hbm>>) target(%arg12 : memref<125x32xf32, #tpu.memory_space<vmem>>) offsets(%dma_start3A_33 : memref<125xi32, #tpu.memory_space<vmem>>) semaphore(%arg14 : memref<!tpu.dma_semaphore, #tpu.memory_space<semaphore_mem>>)
    %run_scoped3A = arith.constant 0 : i32
    "tpu.region"() ({
      %run_scoped3A_68 = tpu.sem_alloc : memref<!tpu.dma_semaphore, #tpu.memory_space<semaphore_mem>>
      %dma_start3A_69 = arith.constant 0 : i32
      %dma_start3A_70 = tpu.memref_slice %arg8[%run_scoped3A, %dma_start3A_69] : memref<40x125xi32, #tpu.memory_space<vmem>> -> memref<1x125xi32, #tpu.memory_space<vmem>>
      %dma_start3A_71 = tpu.memref_squeeze %dma_start3A_70 : memref<1x125xi32, #tpu.memory_space<vmem>> -> memref<125xi32, #tpu.memory_space<vmem>>
      %dma_start3A_72 = arith.constant 0 : i32
      %dma_start3A_73 = arith.constant 0 : i32
      %dma_start3A_74 = tpu.memref_slice %arg13[%dma_start3A_72, %dma_start3A_73] : memref<10240x32xf32, #tpu.memory_space<vmem_shared>> -> memref<10240x32xf32, #tpu.memory_space<vmem_shared>>
      tpu.enqueue_indirect_dma source(%arg9 : memref<125x32xf32, #tpu.memory_space<vmem>>) target(%dma_start3A_74 : memref<10240x32xf32, #tpu.memory_space<vmem_shared>>) offsets(%dma_start3A_71 : memref<125xi32, #tpu.memory_space<vmem>>) semaphore(%run_scoped3A_68 : memref<!tpu.dma_semaphore, #tpu.memory_space<semaphore_mem>>) {add = true}
      %dma_wait3A_75 = arith.constant 0 : i32
      %dma_wait3A_76 = tpu.memref_slice %arg8[%run_scoped3A, %dma_wait3A_75] : memref<40x125xi32, #tpu.memory_space<vmem>> -> memref<1x125xi32, #tpu.memory_space<vmem>>
      %dma_wait3A_77 = tpu.memref_squeeze %dma_wait3A_76 : memref<1x125xi32, #tpu.memory_space<vmem>> -> memref<125xi32, #tpu.memory_space<vmem>>
      %dma_wait3A_78 = arith.constant 0 : i32
      %dma_wait3A_79 = arith.constant 0 : i32
      %dma_wait3A_80 = tpu.memref_slice %arg13[%dma_wait3A_78, %dma_wait3A_79] : memref<10240x32xf32, #tpu.memory_space<vmem_shared>> -> memref<10240x32xf32, #tpu.memory_space<vmem_shared>>
      tpu.wait_indirect_dma semaphore(%run_scoped3A_68 : memref<!tpu.dma_semaphore, #tpu.memory_space<semaphore_mem>>) src(%arg9 : memref<125x32xf32, #tpu.memory_space<vmem>>) dst(%dma_wait3A_80 : memref<10240x32xf32, #tpu.memory_space<vmem_shared>>)
      tpu.yield
    }) : () -> ()
    %scan3A = arith.constant 0 : i32
    %scan3A_37 = arith.constant 0 : i32
    %scan3A_38 = arith.constant 9 : i32
    %scan3A_39 = arith.addi %scan3A_37, %scan3A_38 : i32
    %scan3A_40 = arith.constant 1 : i32
    scf.for %scan3A_68 = %scan3A_37 to %scan3A_39 step %scan3A_40  : i32 {
      %mul3A_69 = arith.constant 4 : i32
      %mul3A_70 = arith.muli %mul3A_69, %scan3A_68 : i32
      %add3A_71 = arith.constant 1 : i32
      %add3A_72 = arith.addi %mul3A_70, %add3A_71 : i32
      %dma_wait3A_73 = arith.constant 0 : i32
      %dma_wait3A_74 = arith.constant 0 : i32
      %dma_wait3A_75 = tpu.memref_slice %arg2[%dma_wait3A_73, %dma_wait3A_74] : memref<10000x32xf32, #tpu.memory_space<hbm>> -> memref<125x32xf32, #tpu.memory_space<hbm>>
      %dma_wait3A_76 = arith.constant 0 : i32
      %dma_wait3A_77 = arith.constant 0 : i32
      %dma_wait3A_78 = tpu.memref_slice %arg2[%dma_wait3A_76, %dma_wait3A_77] : memref<10000x32xf32, #tpu.memory_space<hbm>> -> memref<125x32xf32, #tpu.memory_space<hbm>>
      tpu.wait_dma2 semaphore(%arg14 : memref<!tpu.dma_semaphore, #tpu.memory_space<semaphore_mem>>) src(%dma_wait3A_78 : memref<125x32xf32, #tpu.memory_space<hbm>>) dst(%arg10 : memref<125x32xf32, #tpu.memory_space<vmem>>)
      %add3A_79 = arith.constant 3 : i32
      %add3A_80 = arith.addi %add3A_72, %add3A_79 : i32
      %dma_start3A_81 = arith.constant 0 : i32
      %dma_start3A_82 = tpu.memref_slice %arg7[%add3A_80, %dma_start3A_81] : memref<40x125xi32, #tpu.memory_space<vmem>> -> memref<1x125xi32, #tpu.memory_space<vmem>>
      %dma_start3A_83 = tpu.memref_squeeze %dma_start3A_82 : memref<1x125xi32, #tpu.memory_space<vmem>> -> memref<125xi32, #tpu.memory_space<vmem>>
      %dma_start3A_84 = arith.constant 0 : i32
      %dma_start3A_85 = arith.constant 0 : i32
      %dma_start3A_86 = tpu.memref_slice %arg2[%dma_start3A_84, %dma_start3A_85] : memref<10000x32xf32, #tpu.memory_space<hbm>> -> memref<10000x32xf32, #tpu.memory_space<hbm>>
      tpu.enqueue_indirect_dma source(%dma_start3A_86 : memref<10000x32xf32, #tpu.memory_space<hbm>>) target(%arg9 : memref<125x32xf32, #tpu.memory_space<vmem>>) offsets(%dma_start3A_83 : memref<125xi32, #tpu.memory_space<vmem>>) semaphore(%arg14 : memref<!tpu.dma_semaphore, #tpu.memory_space<semaphore_mem>>)
      "tpu.region"() ({
        %run_scoped3A_135 = tpu.sem_alloc : memref<!tpu.dma_semaphore, #tpu.memory_space<semaphore_mem>>
        %dma_start3A_136 = arith.constant 0 : i32
        %dma_start3A_137 = tpu.memref_slice %arg8[%add3A_72, %dma_start3A_136] : memref<40x125xi32, #tpu.memory_space<vmem>> -> memref<1x125xi32, #tpu.memory_space<vmem>>
        %dma_start3A_138 = tpu.memref_squeeze %dma_start3A_137 : memref<1x125xi32, #tpu.memory_space<vmem>> -> memref<125xi32, #tpu.memory_space<vmem>>
        %dma_start3A_139 = arith.constant 0 : i32
        %dma_start3A_140 = arith.constant 0 : i32
        %dma_start3A_141 = tpu.memref_slice %arg13[%dma_start3A_139, %dma_start3A_140] : memref<10240x32xf32, #tpu.memory_space<vmem_shared>> -> memref<10240x32xf32, #tpu.memory_space<vmem_shared>>
        tpu.enqueue_indirect_dma source(%arg10 : memref<125x32xf32, #tpu.memory_space<vmem>>) target(%dma_start3A_141 : memref<10240x32xf32, #tpu.memory_space<vmem_shared>>) offsets(%dma_start3A_138 : memref<125xi32, #tpu.memory_space<vmem>>) semaphore(%run_scoped3A_135 : memref<!tpu.dma_semaphore, #tpu.memory_space<semaphore_mem>>) {add = true}
        %dma_wait3A_142 = arith.constant 0 : i32
        %dma_wait3A_143 = tpu.memref_slice %arg8[%add3A_72, %dma_wait3A_142] : memref<40x125xi32, #tpu.memory_space<vmem>> -> memref<1x125xi32, #tpu.memory_space<vmem>>
        %dma_wait3A_144 = tpu.memref_squeeze %dma_wait3A_143 : memref<1x125xi32, #tpu.memory_space<vmem>> -> memref<125xi32, #tpu.memory_space<vmem>>
        %dma_wait3A_145 = arith.constant 0 : i32
        %dma_wait3A_146 = arith.constant 0 : i32
        %dma_wait3A_147 = tpu.memref_slice %arg13[%dma_wait3A_145, %dma_wait3A_146] : memref<10240x32xf32, #tpu.memory_space<vmem_shared>> -> memref<10240x32xf32, #tpu.memory_space<vmem_shared>>
        tpu.wait_indirect_dma semaphore(%run_scoped3A_135 : memref<!tpu.dma_semaphore, #tpu.memory_space<semaphore_mem>>) src(%arg10 : memref<125x32xf32, #tpu.memory_space<vmem>>) dst(%dma_wait3A_147 : memref<10240x32xf32, #tpu.memory_space<vmem_shared>>)
        tpu.yield
      }) : () -> ()
      %add3A_87 = arith.constant 2 : i32
      %add3A_88 = arith.addi %mul3A_70, %add3A_87 : i32
      %dma_wait3A_89 = arith.constant 0 : i32
      %dma_wait3A_90 = arith.constant 0 : i32
      %dma_wait3A_91 = tpu.memref_slice %arg2[%dma_wait3A_89, %dma_wait3A_90] : memref<10000x32xf32, #tpu.memory_space<hbm>> -> memref<125x32xf32, #tpu.memory_space<hbm>>
      %dma_wait3A_92 = arith.constant 0 : i32
      %dma_wait3A_93 = arith.constant 0 : i32
      %dma_wait3A_94 = tpu.memref_slice %arg2[%dma_wait3A_92, %dma_wait3A_93] : memref<10000x32xf32, #tpu.memory_space<hbm>> -> memref<125x32xf32, #tpu.memory_space<hbm>>
      tpu.wait_dma2 semaphore(%arg14 : memref<!tpu.dma_semaphore, #tpu.memory_space<semaphore_mem>>) src(%dma_wait3A_94 : memref<125x32xf32, #tpu.memory_space<hbm>>) dst(%arg11 : memref<125x32xf32, #tpu.memory_space<vmem>>)
      %add3A_95 = arith.constant 3 : i32
      %add3A_96 = arith.addi %add3A_88, %add3A_95 : i32
      %dma_start3A_97 = arith.constant 0 : i32
      %dma_start3A_98 = tpu.memref_slice %arg7[%add3A_96, %dma_start3A_97] : memref<40x125xi32, #tpu.memory_space<vmem>> -> memref<1x125xi32, #tpu.memory_space<vmem>>
      %dma_start3A_99 = tpu.memref_squeeze %dma_start3A_98 : memref<1x125xi32, #tpu.memory_space<vmem>> -> memref<125xi32, #tpu.memory_space<vmem>>
      %dma_start3A_100 = arith.constant 0 : i32
      %dma_start3A_101 = arith.constant 0 : i32
      %dma_start3A_102 = tpu.memref_slice %arg2[%dma_start3A_100, %dma_start3A_101] : memref<10000x32xf32, #tpu.memory_space<hbm>> -> memref<10000x32xf32, #tpu.memory_space<hbm>>
      tpu.enqueue_indirect_dma source(%dma_start3A_102 : memref<10000x32xf32, #tpu.memory_space<hbm>>) target(%arg10 : memref<125x32xf32, #tpu.memory_space<vmem>>) offsets(%dma_start3A_99 : memref<125xi32, #tpu.memory_space<vmem>>) semaphore(%arg14 : memref<!tpu.dma_semaphore, #tpu.memory_space<semaphore_mem>>)
      "tpu.region"() ({
        %run_scoped3A_135 = tpu.sem_alloc : memref<!tpu.dma_semaphore, #tpu.memory_space<semaphore_mem>>
        %dma_start3A_136 = arith.constant 0 : i32
        %dma_start3A_137 = tpu.memref_slice %arg8[%add3A_88, %dma_start3A_136] : memref<40x125xi32, #tpu.memory_space<vmem>> -> memref<1x125xi32, #tpu.memory_space<vmem>>
        %dma_start3A_138 = tpu.memref_squeeze %dma_start3A_137 : memref<1x125xi32, #tpu.memory_space<vmem>> -> memref<125xi32, #tpu.memory_space<vmem>>
        %dma_start3A_139 = arith.constant 0 : i32
        %dma_start3A_140 = arith.constant 0 : i32
        %dma_start3A_141 = tpu.memref_slice %arg13[%dma_start3A_139, %dma_start3A_140] : memref<10240x32xf32, #tpu.memory_space<vmem_shared>> -> memref<10240x32xf32, #tpu.memory_space<vmem_shared>>
        tpu.enqueue_indirect_dma source(%arg11 : memref<125x32xf32, #tpu.memory_space<vmem>>) target(%dma_start3A_141 : memref<10240x32xf32, #tpu.memory_space<vmem_shared>>) offsets(%dma_start3A_138 : memref<125xi32, #tpu.memory_space<vmem>>) semaphore(%run_scoped3A_135 : memref<!tpu.dma_semaphore, #tpu.memory_space<semaphore_mem>>) {add = true}
        %dma_wait3A_142 = arith.constant 0 : i32
        %dma_wait3A_143 = tpu.memref_slice %arg8[%add3A_88, %dma_wait3A_142] : memref<40x125xi32, #tpu.memory_space<vmem>> -> memref<1x125xi32, #tpu.memory_space<vmem>>
        %dma_wait3A_144 = tpu.memref_squeeze %dma_wait3A_143 : memref<1x125xi32, #tpu.memory_space<vmem>> -> memref<125xi32, #tpu.memory_space<vmem>>
        %dma_wait3A_145 = arith.constant 0 : i32
        %dma_wait3A_146 = arith.constant 0 : i32
        %dma_wait3A_147 = tpu.memref_slice %arg13[%dma_wait3A_145, %dma_wait3A_146] : memref<10240x32xf32, #tpu.memory_space<vmem_shared>> -> memref<10240x32xf32, #tpu.memory_space<vmem_shared>>
        tpu.wait_indirect_dma semaphore(%run_scoped3A_135 : memref<!tpu.dma_semaphore, #tpu.memory_space<semaphore_mem>>) src(%arg11 : memref<125x32xf32, #tpu.memory_space<vmem>>) dst(%dma_wait3A_147 : memref<10240x32xf32, #tpu.memory_space<vmem_shared>>)
        tpu.yield
      }) : () -> ()
      %add3A_103 = arith.constant 3 : i32
      %add3A_104 = arith.addi %mul3A_70, %add3A_103 : i32
      %dma_wait3A_105 = arith.constant 0 : i32
      %dma_wait3A_106 = arith.constant 0 : i32
      %dma_wait3A_107 = tpu.memref_slice %arg2[%dma_wait3A_105, %dma_wait3A_106] : memref<10000x32xf32, #tpu.memory_space<hbm>> -> memref<125x32xf32, #tpu.memory_space<hbm>>
      %dma_wait3A_108 = arith.constant 0 : i32
      %dma_wait3A_109 = arith.constant 0 : i32
      %dma_wait3A_110 = tpu.memref_slice %arg2[%dma_wait3A_108, %dma_wait3A_109] : memref<10000x32xf32, #tpu.memory_space<hbm>> -> memref<125x32xf32, #tpu.memory_space<hbm>>
      tpu.wait_dma2 semaphore(%arg14 : memref<!tpu.dma_semaphore, #tpu.memory_space<semaphore_mem>>) src(%dma_wait3A_110 : memref<125x32xf32, #tpu.memory_space<hbm>>) dst(%arg12 : memref<125x32xf32, #tpu.memory_space<vmem>>)
      %add3A_111 = arith.constant 3 : i32
      %add3A_112 = arith.addi %add3A_104, %add3A_111 : i32
      %dma_start3A_113 = arith.constant 0 : i32
      %dma_start3A_114 = tpu.memref_slice %arg7[%add3A_112, %dma_start3A_113] : memref<40x125xi32, #tpu.memory_space<vmem>> -> memref<1x125xi32, #tpu.memory_space<vmem>>
      %dma_start3A_115 = tpu.memref_squeeze %dma_start3A_114 : memref<1x125xi32, #tpu.memory_space<vmem>> -> memref<125xi32, #tpu.memory_space<vmem>>
      %dma_start3A_116 = arith.constant 0 : i32
      %dma_start3A_117 = arith.constant 0 : i32
      %dma_start3A_118 = tpu.memref_slice %arg2[%dma_start3A_116, %dma_start3A_117] : memref<10000x32xf32, #tpu.memory_space<hbm>> -> memref<10000x32xf32, #tpu.memory_space<hbm>>
      tpu.enqueue_indirect_dma source(%dma_start3A_118 : memref<10000x32xf32, #tpu.memory_space<hbm>>) target(%arg11 : memref<125x32xf32, #tpu.memory_space<vmem>>) offsets(%dma_start3A_115 : memref<125xi32, #tpu.memory_space<vmem>>) semaphore(%arg14 : memref<!tpu.dma_semaphore, #tpu.memory_space<semaphore_mem>>)
      "tpu.region"() ({
        %run_scoped3A_135 = tpu.sem_alloc : memref<!tpu.dma_semaphore, #tpu.memory_space<semaphore_mem>>
        %dma_start3A_136 = arith.constant 0 : i32
        %dma_start3A_137 = tpu.memref_slice %arg8[%add3A_104, %dma_start3A_136] : memref<40x125xi32, #tpu.memory_space<vmem>> -> memref<1x125xi32, #tpu.memory_space<vmem>>
        %dma_start3A_138 = tpu.memref_squeeze %dma_start3A_137 : memref<1x125xi32, #tpu.memory_space<vmem>> -> memref<125xi32, #tpu.memory_space<vmem>>
        %dma_start3A_139 = arith.constant 0 : i32
        %dma_start3A_140 = arith.constant 0 : i32
        %dma_start3A_141 = tpu.memref_slice %arg13[%dma_start3A_139, %dma_start3A_140] : memref<10240x32xf32, #tpu.memory_space<vmem_shared>> -> memref<10240x32xf32, #tpu.memory_space<vmem_shared>>
        tpu.enqueue_indirect_dma source(%arg12 : memref<125x32xf32, #tpu.memory_space<vmem>>) target(%dma_start3A_141 : memref<10240x32xf32, #tpu.memory_space<vmem_shared>>) offsets(%dma_start3A_138 : memref<125xi32, #tpu.memory_space<vmem>>) semaphore(%run_scoped3A_135 : memref<!tpu.dma_semaphore, #tpu.memory_space<semaphore_mem>>) {add = true}
        %dma_wait3A_142 = arith.constant 0 : i32
        %dma_wait3A_143 = tpu.memref_slice %arg8[%add3A_104, %dma_wait3A_142] : memref<40x125xi32, #tpu.memory_space<vmem>> -> memref<1x125xi32, #tpu.memory_space<vmem>>
        %dma_wait3A_144 = tpu.memref_squeeze %dma_wait3A_143 : memref<1x125xi32, #tpu.memory_space<vmem>> -> memref<125xi32, #tpu.memory_space<vmem>>
        %dma_wait3A_145 = arith.constant 0 : i32
        %dma_wait3A_146 = arith.constant 0 : i32
        %dma_wait3A_147 = tpu.memref_slice %arg13[%dma_wait3A_145, %dma_wait3A_146] : memref<10240x32xf32, #tpu.memory_space<vmem_shared>> -> memref<10240x32xf32, #tpu.memory_space<vmem_shared>>
        tpu.wait_indirect_dma semaphore(%run_scoped3A_135 : memref<!tpu.dma_semaphore, #tpu.memory_space<semaphore_mem>>) src(%arg12 : memref<125x32xf32, #tpu.memory_space<vmem>>) dst(%dma_wait3A_147 : memref<10240x32xf32, #tpu.memory_space<vmem_shared>>)
        tpu.yield
      }) : () -> ()
      %add3A_119 = arith.constant 4 : i32
      %add3A_120 = arith.addi %mul3A_70, %add3A_119 : i32
      %dma_wait3A_121 = arith.constant 0 : i32
      %dma_wait3A_122 = arith.constant 0 : i32
      %dma_wait3A_123 = tpu.memref_slice %arg2[%dma_wait3A_121, %dma_wait3A_122] : memref<10000x32xf32, #tpu.memory_space<hbm>> -> memref<125x32xf32, #tpu.memory_space<hbm>>
      %dma_wait3A_124 = arith.constant 0 : i32
      %dma_wait3A_125 = arith.constant 0 : i32
      %dma_wait3A_126 = tpu.memref_slice %arg2[%dma_wait3A_124, %dma_wait3A_125] : memref<10000x32xf32, #tpu.memory_space<hbm>> -> memref<125x32xf32, #tpu.memory_space<hbm>>
      tpu.wait_dma2 semaphore(%arg14 : memref<!tpu.dma_semaphore, #tpu.memory_space<semaphore_mem>>) src(%dma_wait3A_126 : memref<125x32xf32, #tpu.memory_space<hbm>>) dst(%arg9 : memref<125x32xf32, #tpu.memory_space<vmem>>)
      %add3A_127 = arith.constant 3 : i32
      %add3A_128 = arith.addi %add3A_120, %add3A_127 : i32
      %dma_start3A_129 = arith.constant 0 : i32
      %dma_start3A_130 = tpu.memref_slice %arg7[%add3A_128, %dma_start3A_129] : memref<40x125xi32, #tpu.memory_space<vmem>> -> memref<1x125xi32, #tpu.memory_space<vmem>>
      %dma_start3A_131 = tpu.memref_squeeze %dma_start3A_130 : memref<1x125xi32, #tpu.memory_space<vmem>> -> memref<125xi32, #tpu.memory_space<vmem>>
      %dma_start3A_132 = arith.constant 0 : i32
      %dma_start3A_133 = arith.constant 0 : i32
      %dma_start3A_134 = tpu.memref_slice %arg2[%dma_start3A_132, %dma_start3A_133] : memref<10000x32xf32, #tpu.memory_space<hbm>> -> memref<10000x32xf32, #tpu.memory_space<hbm>>
      tpu.enqueue_indirect_dma source(%dma_start3A_134 : memref<10000x32xf32, #tpu.memory_space<hbm>>) target(%arg12 : memref<125x32xf32, #tpu.memory_space<vmem>>) offsets(%dma_start3A_131 : memref<125xi32, #tpu.memory_space<vmem>>) semaphore(%arg14 : memref<!tpu.dma_semaphore, #tpu.memory_space<semaphore_mem>>)
      "tpu.region"() ({
        %run_scoped3A_135 = tpu.sem_alloc : memref<!tpu.dma_semaphore, #tpu.memory_space<semaphore_mem>>
        %dma_start3A_136 = arith.constant 0 : i32
        %dma_start3A_137 = tpu.memref_slice %arg8[%add3A_120, %dma_start3A_136] : memref<40x125xi32, #tpu.memory_space<vmem>> -> memref<1x125xi32, #tpu.memory_space<vmem>>
        %dma_start3A_138 = tpu.memref_squeeze %dma_start3A_137 : memref<1x125xi32, #tpu.memory_space<vmem>> -> memref<125xi32, #tpu.memory_space<vmem>>
        %dma_start3A_139 = arith.constant 0 : i32
        %dma_start3A_140 = arith.constant 0 : i32
        %dma_start3A_141 = tpu.memref_slice %arg13[%dma_start3A_139, %dma_start3A_140] : memref<10240x32xf32, #tpu.memory_space<vmem_shared>> -> memref<10240x32xf32, #tpu.memory_space<vmem_shared>>
        tpu.enqueue_indirect_dma source(%arg9 : memref<125x32xf32, #tpu.memory_space<vmem>>) target(%dma_start3A_141 : memref<10240x32xf32, #tpu.memory_space<vmem_shared>>) offsets(%dma_start3A_138 : memref<125xi32, #tpu.memory_space<vmem>>) semaphore(%run_scoped3A_135 : memref<!tpu.dma_semaphore, #tpu.memory_space<semaphore_mem>>) {add = true}
        %dma_wait3A_142 = arith.constant 0 : i32
        %dma_wait3A_143 = tpu.memref_slice %arg8[%add3A_120, %dma_wait3A_142] : memref<40x125xi32, #tpu.memory_space<vmem>> -> memref<1x125xi32, #tpu.memory_space<vmem>>
        %dma_wait3A_144 = tpu.memref_squeeze %dma_wait3A_143 : memref<1x125xi32, #tpu.memory_space<vmem>> -> memref<125xi32, #tpu.memory_space<vmem>>
        %dma_wait3A_145 = arith.constant 0 : i32
        %dma_wait3A_146 = arith.constant 0 : i32
        %dma_wait3A_147 = tpu.memref_slice %arg13[%dma_wait3A_145, %dma_wait3A_146] : memref<10240x32xf32, #tpu.memory_space<vmem_shared>> -> memref<10240x32xf32, #tpu.memory_space<vmem_shared>>
        tpu.wait_indirect_dma semaphore(%run_scoped3A_135 : memref<!tpu.dma_semaphore, #tpu.memory_space<semaphore_mem>>) src(%arg9 : memref<125x32xf32, #tpu.memory_space<vmem>>) dst(%dma_wait3A_147 : memref<10240x32xf32, #tpu.memory_space<vmem_shared>>)
        tpu.yield
      }) : () -> ()
    }
    %scan3A_41 = arith.constant 9 : i32
    %dma_wait3A_42 = arith.constant 0 : i32
    %dma_wait3A_43 = arith.constant 0 : i32
    %dma_wait3A_44 = tpu.memref_slice %arg2[%dma_wait3A_42, %dma_wait3A_43] : memref<10000x32xf32, #tpu.memory_space<hbm>> -> memref<125x32xf32, #tpu.memory_space<hbm>>
    %dma_wait3A_45 = arith.constant 0 : i32
    %dma_wait3A_46 = arith.constant 0 : i32
    %dma_wait3A_47 = tpu.memref_slice %arg2[%dma_wait3A_45, %dma_wait3A_46] : memref<10000x32xf32, #tpu.memory_space<hbm>> -> memref<125x32xf32, #tpu.memory_space<hbm>>
    tpu.wait_dma2 semaphore(%arg14 : memref<!tpu.dma_semaphore, #tpu.memory_space<semaphore_mem>>) src(%dma_wait3A_47 : memref<125x32xf32, #tpu.memory_space<hbm>>) dst(%arg10 : memref<125x32xf32, #tpu.memory_space<vmem>>)
    %run_scoped3A_48 = arith.constant 37 : i32
    "tpu.region"() ({
      %run_scoped3A_68 = tpu.sem_alloc : memref<!tpu.dma_semaphore, #tpu.memory_space<semaphore_mem>>
      %dma_start3A_69 = arith.constant 0 : i32
      %dma_start3A_70 = tpu.memref_slice %arg8[%run_scoped3A_48, %dma_start3A_69] : memref<40x125xi32, #tpu.memory_space<vmem>> -> memref<1x125xi32, #tpu.memory_space<vmem>>
      %dma_start3A_71 = tpu.memref_squeeze %dma_start3A_70 : memref<1x125xi32, #tpu.memory_space<vmem>> -> memref<125xi32, #tpu.memory_space<vmem>>
      %dma_start3A_72 = arith.constant 0 : i32
      %dma_start3A_73 = arith.constant 0 : i32
      %dma_start3A_74 = tpu.memref_slice %arg13[%dma_start3A_72, %dma_start3A_73] : memref<10240x32xf32, #tpu.memory_space<vmem_shared>> -> memref<10240x32xf32, #tpu.memory_space<vmem_shared>>
      tpu.enqueue_indirect_dma source(%arg10 : memref<125x32xf32, #tpu.memory_space<vmem>>) target(%dma_start3A_74 : memref<10240x32xf32, #tpu.memory_space<vmem_shared>>) offsets(%dma_start3A_71 : memref<125xi32, #tpu.memory_space<vmem>>) semaphore(%run_scoped3A_68 : memref<!tpu.dma_semaphore, #tpu.memory_space<semaphore_mem>>) {add = true}
      %dma_wait3A_75 = arith.constant 0 : i32
      %dma_wait3A_76 = tpu.memref_slice %arg8[%run_scoped3A_48, %dma_wait3A_75] : memref<40x125xi32, #tpu.memory_space<vmem>> -> memref<1x125xi32, #tpu.memory_space<vmem>>
      %dma_wait3A_77 = tpu.memref_squeeze %dma_wait3A_76 : memref<1x125xi32, #tpu.memory_space<vmem>> -> memref<125xi32, #tpu.memory_space<vmem>>
      %dma_wait3A_78 = arith.constant 0 : i32
      %dma_wait3A_79 = arith.constant 0 : i32
      %dma_wait3A_80 = tpu.memref_slice %arg13[%dma_wait3A_78, %dma_wait3A_79] : memref<10240x32xf32, #tpu.memory_space<vmem_shared>> -> memref<10240x32xf32, #tpu.memory_space<vmem_shared>>
      tpu.wait_indirect_dma semaphore(%run_scoped3A_68 : memref<!tpu.dma_semaphore, #tpu.memory_space<semaphore_mem>>) src(%arg10 : memref<125x32xf32, #tpu.memory_space<vmem>>) dst(%dma_wait3A_80 : memref<10240x32xf32, #tpu.memory_space<vmem_shared>>)
      tpu.yield
    }) : () -> ()
    %dma_wait3A_49 = arith.constant 0 : i32
    %dma_wait3A_50 = arith.constant 0 : i32
    %dma_wait3A_51 = tpu.memref_slice %arg2[%dma_wait3A_49, %dma_wait3A_50] : memref<10000x32xf32, #tpu.memory_space<hbm>> -> memref<125x32xf32, #tpu.memory_space<hbm>>
    %dma_wait3A_52 = arith.constant 0 : i32
    %dma_wait3A_53 = arith.constant 0 : i32
    %dma_wait3A_54 = tpu.memref_slice %arg2[%dma_wait3A_52, %dma_wait3A_53] : memref<10000x32xf32, #tpu.memory_space<hbm>> -> memref<125x32xf32, #tpu.memory_space<hbm>>
    tpu.wait_dma2 semaphore(%arg14 : memref<!tpu.dma_semaphore, #tpu.memory_space<semaphore_mem>>) src(%dma_wait3A_54 : memref<125x32xf32, #tpu.memory_space<hbm>>) dst(%arg11 : memref<125x32xf32, #tpu.memory_space<vmem>>)
    %run_scoped3A_55 = arith.constant 38 : i32
    "tpu.region"() ({
      %run_scoped3A_68 = tpu.sem_alloc : memref<!tpu.dma_semaphore, #tpu.memory_space<semaphore_mem>>
      %dma_start3A_69 = arith.constant 0 : i32
      %dma_start3A_70 = tpu.memref_slice %arg8[%run_scoped3A_55, %dma_start3A_69] : memref<40x125xi32, #tpu.memory_space<vmem>> -> memref<1x125xi32, #tpu.memory_space<vmem>>
      %dma_start3A_71 = tpu.memref_squeeze %dma_start3A_70 : memref<1x125xi32, #tpu.memory_space<vmem>> -> memref<125xi32, #tpu.memory_space<vmem>>
      %dma_start3A_72 = arith.constant 0 : i32
      %dma_start3A_73 = arith.constant 0 : i32
      %dma_start3A_74 = tpu.memref_slice %arg13[%dma_start3A_72, %dma_start3A_73] : memref<10240x32xf32, #tpu.memory_space<vmem_shared>> -> memref<10240x32xf32, #tpu.memory_space<vmem_shared>>
      tpu.enqueue_indirect_dma source(%arg11 : memref<125x32xf32, #tpu.memory_space<vmem>>) target(%dma_start3A_74 : memref<10240x32xf32, #tpu.memory_space<vmem_shared>>) offsets(%dma_start3A_71 : memref<125xi32, #tpu.memory_space<vmem>>) semaphore(%run_scoped3A_68 : memref<!tpu.dma_semaphore, #tpu.memory_space<semaphore_mem>>) {add = true}
      %dma_wait3A_75 = arith.constant 0 : i32
      %dma_wait3A_76 = tpu.memref_slice %arg8[%run_scoped3A_55, %dma_wait3A_75] : memref<40x125xi32, #tpu.memory_space<vmem>> -> memref<1x125xi32, #tpu.memory_space<vmem>>
      %dma_wait3A_77 = tpu.memref_squeeze %dma_wait3A_76 : memref<1x125xi32, #tpu.memory_space<vmem>> -> memref<125xi32, #tpu.memory_space<vmem>>
      %dma_wait3A_78 = arith.constant 0 : i32
      %dma_wait3A_79 = arith.constant 0 : i32
      %dma_wait3A_80 = tpu.memref_slice %arg13[%dma_wait3A_78, %dma_wait3A_79] : memref<10240x32xf32, #tpu.memory_space<vmem_shared>> -> memref<10240x32xf32, #tpu.memory_space<vmem_shared>>
      tpu.wait_indirect_dma semaphore(%run_scoped3A_68 : memref<!tpu.dma_semaphore, #tpu.memory_space<semaphore_mem>>) src(%arg11 : memref<125x32xf32, #tpu.memory_space<vmem>>) dst(%dma_wait3A_80 : memref<10240x32xf32, #tpu.memory_space<vmem_shared>>)
      tpu.yield
    }) : () -> ()
    %dma_wait3A_56 = arith.constant 0 : i32
    %dma_wait3A_57 = arith.constant 0 : i32
    %dma_wait3A_58 = tpu.memref_slice %arg2[%dma_wait3A_56, %dma_wait3A_57] : memref<10000x32xf32, #tpu.memory_space<hbm>> -> memref<125x32xf32, #tpu.memory_space<hbm>>
    %dma_wait3A_59 = arith.constant 0 : i32
    %dma_wait3A_60 = arith.constant 0 : i32
    %dma_wait3A_61 = tpu.memref_slice %arg2[%dma_wait3A_59, %dma_wait3A_60] : memref<10000x32xf32, #tpu.memory_space<hbm>> -> memref<125x32xf32, #tpu.memory_space<hbm>>
    tpu.wait_dma2 semaphore(%arg14 : memref<!tpu.dma_semaphore, #tpu.memory_space<semaphore_mem>>) src(%dma_wait3A_61 : memref<125x32xf32, #tpu.memory_space<hbm>>) dst(%arg12 : memref<125x32xf32, #tpu.memory_space<vmem>>)
    %run_scoped3A_62 = arith.constant 39 : i32
    "tpu.region"() ({
      %run_scoped3A_68 = tpu.sem_alloc : memref<!tpu.dma_semaphore, #tpu.memory_space<semaphore_mem>>
      %dma_start3A_69 = arith.constant 0 : i32
      %dma_start3A_70 = tpu.memref_slice %arg8[%run_scoped3A_62, %dma_start3A_69] : memref<40x125xi32, #tpu.memory_space<vmem>> -> memref<1x125xi32, #tpu.memory_space<vmem>>
      %dma_start3A_71 = tpu.memref_squeeze %dma_start3A_70 : memref<1x125xi32, #tpu.memory_space<vmem>> -> memref<125xi32, #tpu.memory_space<vmem>>
      %dma_start3A_72 = arith.constant 0 : i32
      %dma_start3A_73 = arith.constant 0 : i32
      %dma_start3A_74 = tpu.memref_slice %arg13[%dma_start3A_72, %dma_start3A_73] : memref<10240x32xf32, #tpu.memory_space<vmem_shared>> -> memref<10240x32xf32, #tpu.memory_space<vmem_shared>>
      tpu.enqueue_indirect_dma source(%arg12 : memref<125x32xf32, #tpu.memory_space<vmem>>) target(%dma_start3A_74 : memref<10240x32xf32, #tpu.memory_space<vmem_shared>>) offsets(%dma_start3A_71 : memref<125xi32, #tpu.memory_space<vmem>>) semaphore(%run_scoped3A_68 : memref<!tpu.dma_semaphore, #tpu.memory_space<semaphore_mem>>) {add = true}
      %dma_wait3A_75 = arith.constant 0 : i32
      %dma_wait3A_76 = tpu.memref_slice %arg8[%run_scoped3A_62, %dma_wait3A_75] : memref<40x125xi32, #tpu.memory_space<vmem>> -> memref<1x125xi32, #tpu.memory_space<vmem>>
      %dma_wait3A_77 = tpu.memref_squeeze %dma_wait3A_76 : memref<1x125xi32, #tpu.memory_space<vmem>> -> memref<125xi32, #tpu.memory_space<vmem>>
      %dma_wait3A_78 = arith.constant 0 : i32
      %dma_wait3A_79 = arith.constant 0 : i32
      %dma_wait3A_80 = tpu.memref_slice %arg13[%dma_wait3A_78, %dma_wait3A_79] : memref<10240x32xf32, #tpu.memory_space<vmem_shared>> -> memref<10240x32xf32, #tpu.memory_space<vmem_shared>>
      tpu.wait_indirect_dma semaphore(%run_scoped3A_68 : memref<!tpu.dma_semaphore, #tpu.memory_space<semaphore_mem>>) src(%arg12 : memref<125x32xf32, #tpu.memory_space<vmem>>) dst(%dma_wait3A_80 : memref<10240x32xf32, #tpu.memory_space<vmem_shared>>)
      tpu.yield
    }) : () -> ()
    %barrier3A_63 = arith.constant 0 : index
    tpu.barrier barrier_id(%barrier3A_63)
    %mul3A_64 = arith.constant 640 : i32
    %mul3A_65 = arith.muli %arg1, %mul3A_64 : i32
    %mul3A_66 = arith.constant 640 : i32
    %mul3A_67 = arith.muli %arg1, %mul3A_66 : i32
    "tpu.region"() ({
      %run_scoped3A_68 = tpu.sem_alloc : memref<!tpu.dma_semaphore, #tpu.memory_space<semaphore_mem>>
      %dma_start3A_69 = arith.constant 0 : i32
      %dma_start3A_70 = tpu.memref_slice %arg6[%arg0, %mul3A_67, %dma_start3A_69] : memref<2x10240x32xf32, #tpu.memory_space<hbm>> -> memref<1x640x32xf32, #tpu.memory_space<hbm>>
      %dma_start3A_71 = tpu.memref_squeeze %dma_start3A_70 : memref<1x640x32xf32, #tpu.memory_space<hbm>> -> memref<640x32xf32, #tpu.memory_space<hbm>>
      %dma_start3A_72 = arith.constant 0 : i32
      %dma_start3A_73 = tpu.memref_slice %arg13[%mul3A_65, %dma_start3A_72] : memref<10240x32xf32, #tpu.memory_space<vmem_shared>> -> memref<640x32xf32, #tpu.memory_space<vmem_shared>>
      tpu.enqueue_dma source(%dma_start3A_73 : memref<640x32xf32, #tpu.memory_space<vmem_shared>>) target(%dma_start3A_71 : memref<640x32xf32, #tpu.memory_space<hbm>>) target_semaphore(%run_scoped3A_68 : memref<!tpu.dma_semaphore, #tpu.memory_space<semaphore_mem>>)
      %dma_wait3A_74 = arith.constant 0 : i32
      %dma_wait3A_75 = tpu.memref_slice %arg6[%arg0, %mul3A_67, %dma_wait3A_74] : memref<2x10240x32xf32, #tpu.memory_space<hbm>> -> memref<1x640x32xf32, #tpu.memory_space<hbm>>
      %dma_wait3A_76 = tpu.memref_squeeze %dma_wait3A_75 : memref<1x640x32xf32, #tpu.memory_space<hbm>> -> memref<640x32xf32, #tpu.memory_space<hbm>>
      %dma_wait3A_77 = arith.constant 0 : i32
      %dma_wait3A_78 = tpu.memref_slice %arg13[%mul3A_65, %dma_wait3A_77] : memref<10240x32xf32, #tpu.memory_space<vmem_shared>> -> memref<640x32xf32, #tpu.memory_space<vmem_shared>>
      tpu.wait_dma2 semaphore(%run_scoped3A_68 : memref<!tpu.dma_semaphore, #tpu.memory_space<semaphore_mem>>) src(%dma_wait3A_78 : memref<640x32xf32, #tpu.memory_space<vmem_shared>>) dst(%dma_wait3A_76 : memref<640x32xf32, #tpu.memory_space<hbm>>)
      tpu.yield
    }) : () -> ()
    return
  }
}

#map = affine_map<(d0, d1) -> (0, 0, 0)>
#map1 = affine_map<(d0, d1) -> (0, 0)>
module attributes {stable_mosaic.version = 14 : i64} {
  func.func @k(%arg0: i32, %arg1: i32, %arg2: memref<32x40x125xi32, #tpu.memory_space<hbm>>, %arg3: memref<125x16xf32, #tpu.memory_space<hbm>>, %arg4: memref<10240x16xf32, #tpu.memory_space<hbm>>, %arg5: memref<2x10240x16xf32, #tpu.memory_space<hbm>>, %arg6: memref<40x125xi32, #tpu.memory_space<vmem>>, %arg7: memref<125x16xf32, #tpu.memory_space<vmem>>, %arg8: memref<10240x16xf32, #tpu.memory_space<vmem_shared>>, %arg9: memref<!tpu.dma_semaphore, #tpu.memory_space<semaphore_mem>>) attributes {dimension_semantics = [#tpu.dimension_semantics<core_parallel>, #tpu.dimension_semantics<subcore_parallel>], iteration_bounds = array<i64: 2, 16>, scalar_prefetch = 0 : i64, scratch_operands = 4 : i64, tpu.core_type = #tpu.core_type<sc_vector_subcore>, window_params = [{transform_indices = #map}, {transform_indices = #map1}, {transform_indices = #map1}, {transform_indices = #map}]} {
    %mul3A = arith.constant 16 : i32
    %mul3A_0 = arith.muli %arg0, %mul3A : i32
    %add3A = arith.addi %mul3A_0, %arg1 : i32
    %mul3A_1 = arith.constant 640 : i32
    %mul3A_2 = arith.muli %arg1, %mul3A_1 : i32
    %mul3A_3 = arith.constant 640 : i32
    %mul3A_4 = arith.muli %arg1, %mul3A_3 : i32
    "tpu.region"() ({
      %run_scoped3A = tpu.sem_alloc : memref<!tpu.dma_semaphore, #tpu.memory_space<semaphore_mem>>
      %dma_start3A = arith.constant 0 : i32
      %dma_start3A_21 = tpu.memref_slice %arg8[%mul3A_4, %dma_start3A] : memref<10240x16xf32, #tpu.memory_space<vmem_shared>> -> memref<640x16xf32, #tpu.memory_space<vmem_shared>>
      %dma_start3A_22 = arith.constant 0 : i32
      %dma_start3A_23 = tpu.memref_slice %arg4[%mul3A_2, %dma_start3A_22] : memref<10240x16xf32, #tpu.memory_space<hbm>> -> memref<640x16xf32, #tpu.memory_space<hbm>>
      tpu.enqueue_dma source(%dma_start3A_23 : memref<640x16xf32, #tpu.memory_space<hbm>>) target(%dma_start3A_21 : memref<640x16xf32, #tpu.memory_space<vmem_shared>>) target_semaphore(%run_scoped3A : memref<!tpu.dma_semaphore, #tpu.memory_space<semaphore_mem>>)
      %dma_wait3A = arith.constant 0 : i32
      %dma_wait3A_24 = tpu.memref_slice %arg8[%mul3A_4, %dma_wait3A] : memref<10240x16xf32, #tpu.memory_space<vmem_shared>> -> memref<640x16xf32, #tpu.memory_space<vmem_shared>>
      %dma_wait3A_25 = arith.constant 0 : i32
      %dma_wait3A_26 = tpu.memref_slice %arg4[%mul3A_2, %dma_wait3A_25] : memref<10240x16xf32, #tpu.memory_space<hbm>> -> memref<640x16xf32, #tpu.memory_space<hbm>>
      tpu.wait_dma2 semaphore(%run_scoped3A : memref<!tpu.dma_semaphore, #tpu.memory_space<semaphore_mem>>) src(%dma_wait3A_26 : memref<640x16xf32, #tpu.memory_space<hbm>>) dst(%dma_wait3A_24 : memref<640x16xf32, #tpu.memory_space<vmem_shared>>)
      tpu.yield
    }) : () -> ()
    "tpu.region"() ({
      %run_scoped3A = tpu.sem_alloc : memref<!tpu.dma_semaphore, #tpu.memory_space<semaphore_mem>>
      %dma_start3A = arith.constant 0 : i32
      %dma_start3A_21 = arith.constant 0 : i32
      %dma_start3A_22 = tpu.memref_slice %arg2[%add3A, %dma_start3A, %dma_start3A_21] : memref<32x40x125xi32, #tpu.memory_space<hbm>> -> memref<1x40x125xi32, #tpu.memory_space<hbm>>
      %dma_start3A_23 = tpu.memref_squeeze %dma_start3A_22 : memref<1x40x125xi32, #tpu.memory_space<hbm>> -> memref<40x125xi32, #tpu.memory_space<hbm>>
      %dma_start3A_24 = arith.constant 0 : i32
      %dma_start3A_25 = arith.constant 0 : i32
      %dma_start3A_26 = tpu.memref_slice %arg2[%add3A, %dma_start3A_24, %dma_start3A_25] : memref<32x40x125xi32, #tpu.memory_space<hbm>> -> memref<1x40x125xi32, #tpu.memory_space<hbm>>
      %dma_start3A_27 = tpu.memref_squeeze %dma_start3A_26 : memref<1x40x125xi32, #tpu.memory_space<hbm>> -> memref<40x125xi32, #tpu.memory_space<hbm>>
      tpu.enqueue_dma source(%dma_start3A_27 : memref<40x125xi32, #tpu.memory_space<hbm>>) target(%arg6 : memref<40x125xi32, #tpu.memory_space<vmem>>) target_semaphore(%run_scoped3A : memref<!tpu.dma_semaphore, #tpu.memory_space<semaphore_mem>>)
      %dma_wait3A = arith.constant 0 : i32
      %dma_wait3A_28 = arith.constant 0 : i32
      %dma_wait3A_29 = tpu.memref_slice %arg2[%add3A, %dma_wait3A, %dma_wait3A_28] : memref<32x40x125xi32, #tpu.memory_space<hbm>> -> memref<1x40x125xi32, #tpu.memory_space<hbm>>
      %dma_wait3A_30 = tpu.memref_squeeze %dma_wait3A_29 : memref<1x40x125xi32, #tpu.memory_space<hbm>> -> memref<40x125xi32, #tpu.memory_space<hbm>>
      %dma_wait3A_31 = arith.constant 0 : i32
      %dma_wait3A_32 = arith.constant 0 : i32
      %dma_wait3A_33 = tpu.memref_slice %arg2[%add3A, %dma_wait3A_31, %dma_wait3A_32] : memref<32x40x125xi32, #tpu.memory_space<hbm>> -> memref<1x40x125xi32, #tpu.memory_space<hbm>>
      %dma_wait3A_34 = tpu.memref_squeeze %dma_wait3A_33 : memref<1x40x125xi32, #tpu.memory_space<hbm>> -> memref<40x125xi32, #tpu.memory_space<hbm>>
      tpu.wait_dma2 semaphore(%run_scoped3A : memref<!tpu.dma_semaphore, #tpu.memory_space<semaphore_mem>>) src(%dma_wait3A_34 : memref<40x125xi32, #tpu.memory_space<hbm>>) dst(%arg6 : memref<40x125xi32, #tpu.memory_space<vmem>>)
      tpu.yield
    }) : () -> ()
    "tpu.region"() ({
      %run_scoped3A = tpu.sem_alloc : memref<!tpu.dma_semaphore, #tpu.memory_space<semaphore_mem>>
      tpu.enqueue_dma source(%arg3 : memref<125x16xf32, #tpu.memory_space<hbm>>) target(%arg7 : memref<125x16xf32, #tpu.memory_space<vmem>>) target_semaphore(%run_scoped3A : memref<!tpu.dma_semaphore, #tpu.memory_space<semaphore_mem>>)
      tpu.wait_dma2 semaphore(%run_scoped3A : memref<!tpu.dma_semaphore, #tpu.memory_space<semaphore_mem>>) src(%arg3 : memref<125x16xf32, #tpu.memory_space<hbm>>) dst(%arg7 : memref<125x16xf32, #tpu.memory_space<vmem>>)
      tpu.yield
    }) : () -> ()
    %barrier3A = arith.constant 0 : index
    tpu.barrier barrier_id(%barrier3A)
    %scan3A = arith.constant 0 : i32
    %scan3A_5 = arith.constant 0 : i32
    %scan3A_6 = arith.constant 40 : i32
    %scan3A_7 = arith.addi %scan3A_5, %scan3A_6 : i32
    %scan3A_8 = arith.constant 1 : i32
    scf.for %scan3A_21 = %scan3A_5 to %scan3A_7 step %scan3A_8  : i32 {
      %dma_start3A = arith.constant 0 : i32
      %dma_start3A_22 = tpu.memref_slice %arg6[%scan3A_21, %dma_start3A] : memref<40x125xi32, #tpu.memory_space<vmem>> -> memref<1x125xi32, #tpu.memory_space<vmem>>
      %dma_start3A_23 = tpu.memref_squeeze %dma_start3A_22 : memref<1x125xi32, #tpu.memory_space<vmem>> -> memref<125xi32, #tpu.memory_space<vmem>>
      %dma_start3A_24 = arith.constant 0 : i32
      %dma_start3A_25 = arith.constant 0 : i32
      %dma_start3A_26 = tpu.memref_slice %arg8[%dma_start3A_24, %dma_start3A_25] : memref<10240x16xf32, #tpu.memory_space<vmem_shared>> -> memref<10240x16xf32, #tpu.memory_space<vmem_shared>>
      tpu.enqueue_indirect_dma source(%arg7 : memref<125x16xf32, #tpu.memory_space<vmem>>) target(%dma_start3A_26 : memref<10240x16xf32, #tpu.memory_space<vmem_shared>>) offsets(%dma_start3A_23 : memref<125xi32, #tpu.memory_space<vmem>>) semaphore(%arg9 : memref<!tpu.dma_semaphore, #tpu.memory_space<semaphore_mem>>) {add = true}
    }
    %scan3A_9 = arith.constant 40 : i32
    %scan3A_10 = arith.constant 0 : i32
    %scan3A_11 = arith.constant 0 : i32
    %scan3A_12 = arith.constant 40 : i32
    %scan3A_13 = arith.addi %scan3A_11, %scan3A_12 : i32
    %scan3A_14 = arith.constant 1 : i32
    scf.for %scan3A_21 = %scan3A_11 to %scan3A_13 step %scan3A_14  : i32 {
      %dma_wait3A = arith.constant 0 : i32
      %dma_wait3A_22 = arith.constant 0 : i32
      %dma_wait3A_23 = tpu.memref_slice %arg4[%dma_wait3A, %dma_wait3A_22] : memref<10240x16xf32, #tpu.memory_space<hbm>> -> memref<125x16xf32, #tpu.memory_space<hbm>>
      %dma_wait3A_24 = arith.constant 0 : i32
      %dma_wait3A_25 = arith.constant 0 : i32
      %dma_wait3A_26 = tpu.memref_slice %arg4[%dma_wait3A_24, %dma_wait3A_25] : memref<10240x16xf32, #tpu.memory_space<hbm>> -> memref<125x16xf32, #tpu.memory_space<hbm>>
      tpu.wait_dma2 semaphore(%arg9 : memref<!tpu.dma_semaphore, #tpu.memory_space<semaphore_mem>>) src(%dma_wait3A_26 : memref<125x16xf32, #tpu.memory_space<hbm>>) dst(%arg7 : memref<125x16xf32, #tpu.memory_space<vmem>>)
    }
    %scan3A_15 = arith.constant 40 : i32
    %barrier3A_16 = arith.constant 0 : index
    tpu.barrier barrier_id(%barrier3A_16)
    %mul3A_17 = arith.constant 640 : i32
    %mul3A_18 = arith.muli %arg1, %mul3A_17 : i32
    %mul3A_19 = arith.constant 640 : i32
    %mul3A_20 = arith.muli %arg1, %mul3A_19 : i32
    "tpu.region"() ({
      %run_scoped3A = tpu.sem_alloc : memref<!tpu.dma_semaphore, #tpu.memory_space<semaphore_mem>>
      %dma_start3A = arith.constant 0 : i32
      %dma_start3A_21 = tpu.memref_slice %arg5[%arg0, %mul3A_20, %dma_start3A] : memref<2x10240x16xf32, #tpu.memory_space<hbm>> -> memref<1x640x16xf32, #tpu.memory_space<hbm>>
      %dma_start3A_22 = tpu.memref_squeeze %dma_start3A_21 : memref<1x640x16xf32, #tpu.memory_space<hbm>> -> memref<640x16xf32, #tpu.memory_space<hbm>>
      %dma_start3A_23 = arith.constant 0 : i32
      %dma_start3A_24 = tpu.memref_slice %arg8[%mul3A_18, %dma_start3A_23] : memref<10240x16xf32, #tpu.memory_space<vmem_shared>> -> memref<640x16xf32, #tpu.memory_space<vmem_shared>>
      tpu.enqueue_dma source(%dma_start3A_24 : memref<640x16xf32, #tpu.memory_space<vmem_shared>>) target(%dma_start3A_22 : memref<640x16xf32, #tpu.memory_space<hbm>>) target_semaphore(%run_scoped3A : memref<!tpu.dma_semaphore, #tpu.memory_space<semaphore_mem>>)
      %dma_wait3A = arith.constant 0 : i32
      %dma_wait3A_25 = tpu.memref_slice %arg5[%arg0, %mul3A_20, %dma_wait3A] : memref<2x10240x16xf32, #tpu.memory_space<hbm>> -> memref<1x640x16xf32, #tpu.memory_space<hbm>>
      %dma_wait3A_26 = tpu.memref_squeeze %dma_wait3A_25 : memref<1x640x16xf32, #tpu.memory_space<hbm>> -> memref<640x16xf32, #tpu.memory_space<hbm>>
      %dma_wait3A_27 = arith.constant 0 : i32
      %dma_wait3A_28 = tpu.memref_slice %arg8[%mul3A_18, %dma_wait3A_27] : memref<10240x16xf32, #tpu.memory_space<vmem_shared>> -> memref<640x16xf32, #tpu.memory_space<vmem_shared>>
      tpu.wait_dma2 semaphore(%run_scoped3A : memref<!tpu.dma_semaphore, #tpu.memory_space<semaphore_mem>>) src(%dma_wait3A_28 : memref<640x16xf32, #tpu.memory_space<vmem_shared>>) dst(%dma_wait3A_26 : memref<640x16xf32, #tpu.memory_space<hbm>>)
      tpu.yield
    }) : () -> ()
    return
  }
}

#map = affine_map<(d0, d1) -> (0, 0)>
#map1 = affine_map<(d0, d1) -> (0, 0, 0)>
module attributes {stable_mosaic.version = 14 : i64} {
  func.func @k(%arg0: i32, %arg1: i32, %arg2: memref<10000x16xf32, #tpu.memory_space<hbm>>, %arg3: memref<32x40x125xi32, #tpu.memory_space<hbm>>, %arg4: memref<32x40x125xi32, #tpu.memory_space<hbm>>, %arg5: memref<10240x16xf32, #tpu.memory_space<hbm>>, %arg6: memref<2x10240x16xf32, #tpu.memory_space<hbm>>, %arg7: memref<40x125xi32, #tpu.memory_space<vmem>>, %arg8: memref<40x125xi32, #tpu.memory_space<vmem>>, %arg9: memref<125x16xf32, #tpu.memory_space<vmem>>, %arg10: memref<125x16xf32, #tpu.memory_space<vmem>>, %arg11: memref<125x16xf32, #tpu.memory_space<vmem>>, %arg12: memref<125x16xf32, #tpu.memory_space<vmem>>, %arg13: memref<10240x16xf32, #tpu.memory_space<vmem_shared>>, %arg14: memref<!tpu.dma_semaphore, #tpu.memory_space<semaphore_mem>>, %arg15: memref<!tpu.dma_semaphore, #tpu.memory_space<semaphore_mem>>) attributes {dimension_semantics = [#tpu.dimension_semantics<core_parallel>, #tpu.dimension_semantics<subcore_parallel>], iteration_bounds = array<i64: 2, 16>, scalar_prefetch = 0 : i64, scratch_operands = 9 : i64, tpu.core_type = #tpu.core_type<sc_vector_subcore>, window_params = [{transform_indices = #map}, {transform_indices = #map1}, {transform_indices = #map1}, {transform_indices = #map}, {transform_indices = #map1}]} {
    %mul3A = arith.constant 16 : i32
    %mul3A_0 = arith.muli %arg0, %mul3A : i32
    %add3A = arith.addi %mul3A_0, %arg1 : i32
    %mul3A_1 = arith.constant 640 : i32
    %mul3A_2 = arith.muli %arg1, %mul3A_1 : i32
    %mul3A_3 = arith.constant 640 : i32
    %mul3A_4 = arith.muli %arg1, %mul3A_3 : i32
    "tpu.region"() ({
      %run_scoped3A_68 = tpu.sem_alloc : memref<!tpu.dma_semaphore, #tpu.memory_space<semaphore_mem>>
      %dma_start3A_69 = arith.constant 0 : i32
      %dma_start3A_70 = tpu.memref_slice %arg13[%mul3A_4, %dma_start3A_69] : memref<10240x16xf32, #tpu.memory_space<vmem_shared>> -> memref<640x16xf32, #tpu.memory_space<vmem_shared>>
      %dma_start3A_71 = arith.constant 0 : i32
      %dma_start3A_72 = tpu.memref_slice %arg5[%mul3A_2, %dma_start3A_71] : memref<10240x16xf32, #tpu.memory_space<hbm>> -> memref<640x16xf32, #tpu.memory_space<hbm>>
      tpu.enqueue_dma source(%dma_start3A_72 : memref<640x16xf32, #tpu.memory_space<hbm>>) target(%dma_start3A_70 : memref<640x16xf32, #tpu.memory_space<vmem_shared>>) target_semaphore(%run_scoped3A_68 : memref<!tpu.dma_semaphore, #tpu.memory_space<semaphore_mem>>)
      %dma_wait3A_73 = arith.constant 0 : i32
      %dma_wait3A_74 = tpu.memref_slice %arg13[%mul3A_4, %dma_wait3A_73] : memref<10240x16xf32, #tpu.memory_space<vmem_shared>> -> memref<640x16xf32, #tpu.memory_space<vmem_shared>>
      %dma_wait3A_75 = arith.constant 0 : i32
      %dma_wait3A_76 = tpu.memref_slice %arg5[%mul3A_2, %dma_wait3A_75] : memref<10240x16xf32, #tpu.memory_space<hbm>> -> memref<640x16xf32, #tpu.memory_space<hbm>>
      tpu.wait_dma2 semaphore(%run_scoped3A_68 : memref<!tpu.dma_semaphore, #tpu.memory_space<semaphore_mem>>) src(%dma_wait3A_76 : memref<640x16xf32, #tpu.memory_space<hbm>>) dst(%dma_wait3A_74 : memref<640x16xf32, #tpu.memory_space<vmem_shared>>)
      tpu.yield
    }) : () -> ()
    "tpu.region"() ({
      %run_scoped3A_68 = tpu.sem_alloc : memref<!tpu.dma_semaphore, #tpu.memory_space<semaphore_mem>>
      %dma_start3A_69 = arith.constant 0 : i32
      %dma_start3A_70 = arith.constant 0 : i32
      %dma_start3A_71 = tpu.memref_slice %arg3[%add3A, %dma_start3A_69, %dma_start3A_70] : memref<32x40x125xi32, #tpu.memory_space<hbm>> -> memref<1x40x125xi32, #tpu.memory_space<hbm>>
      %dma_start3A_72 = tpu.memref_squeeze %dma_start3A_71 : memref<1x40x125xi32, #tpu.memory_space<hbm>> -> memref<40x125xi32, #tpu.memory_space<hbm>>
      %dma_start3A_73 = arith.constant 0 : i32
      %dma_start3A_74 = arith.constant 0 : i32
      %dma_start3A_75 = tpu.memref_slice %arg3[%add3A, %dma_start3A_73, %dma_start3A_74] : memref<32x40x125xi32, #tpu.memory_space<hbm>> -> memref<1x40x125xi32, #tpu.memory_space<hbm>>
      %dma_start3A_76 = tpu.memref_squeeze %dma_start3A_75 : memref<1x40x125xi32, #tpu.memory_space<hbm>> -> memref<40x125xi32, #tpu.memory_space<hbm>>
      tpu.enqueue_dma source(%dma_start3A_76 : memref<40x125xi32, #tpu.memory_space<hbm>>) target(%arg7 : memref<40x125xi32, #tpu.memory_space<vmem>>) target_semaphore(%run_scoped3A_68 : memref<!tpu.dma_semaphore, #tpu.memory_space<semaphore_mem>>)
      %dma_wait3A_77 = arith.constant 0 : i32
      %dma_wait3A_78 = arith.constant 0 : i32
      %dma_wait3A_79 = tpu.memref_slice %arg3[%add3A, %dma_wait3A_77, %dma_wait3A_78] : memref<32x40x125xi32, #tpu.memory_space<hbm>> -> memref<1x40x125xi32, #tpu.memory_space<hbm>>
      %dma_wait3A_80 = tpu.memref_squeeze %dma_wait3A_79 : memref<1x40x125xi32, #tpu.memory_space<hbm>> -> memref<40x125xi32, #tpu.memory_space<hbm>>
      %dma_wait3A_81 = arith.constant 0 : i32
      %dma_wait3A_82 = arith.constant 0 : i32
      %dma_wait3A_83 = tpu.memref_slice %arg3[%add3A, %dma_wait3A_81, %dma_wait3A_82] : memref<32x40x125xi32, #tpu.memory_space<hbm>> -> memref<1x40x125xi32, #tpu.memory_space<hbm>>
      %dma_wait3A_84 = tpu.memref_squeeze %dma_wait3A_83 : memref<1x40x125xi32, #tpu.memory_space<hbm>> -> memref<40x125xi32, #tpu.memory_space<hbm>>
      tpu.wait_dma2 semaphore(%run_scoped3A_68 : memref<!tpu.dma_semaphore, #tpu.memory_space<semaphore_mem>>) src(%dma_wait3A_84 : memref<40x125xi32, #tpu.memory_space<hbm>>) dst(%arg7 : memref<40x125xi32, #tpu.memory_space<vmem>>)
      tpu.yield
    }) : () -> ()
    "tpu.region"() ({
      %run_scoped3A_68 = tpu.sem_alloc : memref<!tpu.dma_semaphore, #tpu.memory_space<semaphore_mem>>
      %dma_start3A_69 = arith.constant 0 : i32
      %dma_start3A_70 = arith.constant 0 : i32
      %dma_start3A_71 = tpu.memref_slice %arg4[%add3A, %dma_start3A_69, %dma_start3A_70] : memref<32x40x125xi32, #tpu.memory_space<hbm>> -> memref<1x40x125xi32, #tpu.memory_space<hbm>>
      %dma_start3A_72 = tpu.memref_squeeze %dma_start3A_71 : memref<1x40x125xi32, #tpu.memory_space<hbm>> -> memref<40x125xi32, #tpu.memory_space<hbm>>
      %dma_start3A_73 = arith.constant 0 : i32
      %dma_start3A_74 = arith.constant 0 : i32
      %dma_start3A_75 = tpu.memref_slice %arg4[%add3A, %dma_start3A_73, %dma_start3A_74] : memref<32x40x125xi32, #tpu.memory_space<hbm>> -> memref<1x40x125xi32, #tpu.memory_space<hbm>>
      %dma_start3A_76 = tpu.memref_squeeze %dma_start3A_75 : memref<1x40x125xi32, #tpu.memory_space<hbm>> -> memref<40x125xi32, #tpu.memory_space<hbm>>
      tpu.enqueue_dma source(%dma_start3A_76 : memref<40x125xi32, #tpu.memory_space<hbm>>) target(%arg8 : memref<40x125xi32, #tpu.memory_space<vmem>>) target_semaphore(%run_scoped3A_68 : memref<!tpu.dma_semaphore, #tpu.memory_space<semaphore_mem>>)
      %dma_wait3A_77 = arith.constant 0 : i32
      %dma_wait3A_78 = arith.constant 0 : i32
      %dma_wait3A_79 = tpu.memref_slice %arg4[%add3A, %dma_wait3A_77, %dma_wait3A_78] : memref<32x40x125xi32, #tpu.memory_space<hbm>> -> memref<1x40x125xi32, #tpu.memory_space<hbm>>
      %dma_wait3A_80 = tpu.memref_squeeze %dma_wait3A_79 : memref<1x40x125xi32, #tpu.memory_space<hbm>> -> memref<40x125xi32, #tpu.memory_space<hbm>>
      %dma_wait3A_81 = arith.constant 0 : i32
      %dma_wait3A_82 = arith.constant 0 : i32
      %dma_wait3A_83 = tpu.memref_slice %arg4[%add3A, %dma_wait3A_81, %dma_wait3A_82] : memref<32x40x125xi32, #tpu.memory_space<hbm>> -> memref<1x40x125xi32, #tpu.memory_space<hbm>>
      %dma_wait3A_84 = tpu.memref_squeeze %dma_wait3A_83 : memref<1x40x125xi32, #tpu.memory_space<hbm>> -> memref<40x125xi32, #tpu.memory_space<hbm>>
      tpu.wait_dma2 semaphore(%run_scoped3A_68 : memref<!tpu.dma_semaphore, #tpu.memory_space<semaphore_mem>>) src(%dma_wait3A_84 : memref<40x125xi32, #tpu.memory_space<hbm>>) dst(%arg8 : memref<40x125xi32, #tpu.memory_space<vmem>>)
      tpu.yield
    }) : () -> ()
    %barrier3A = arith.constant 0 : index
    tpu.barrier barrier_id(%barrier3A)
    %dma_start3A = arith.constant 0 : i32
    %dma_start3A_5 = arith.constant 0 : i32
    %dma_start3A_6 = tpu.memref_slice %arg7[%dma_start3A, %dma_start3A_5] : memref<40x125xi32, #tpu.memory_space<vmem>> -> memref<1x125xi32, #tpu.memory_space<vmem>>
    %dma_start3A_7 = tpu.memref_squeeze %dma_start3A_6 : memref<1x125xi32, #tpu.memory_space<vmem>> -> memref<125xi32, #tpu.memory_space<vmem>>
    %dma_start3A_8 = arith.constant 0 : i32
    %dma_start3A_9 = arith.constant 0 : i32
    %dma_start3A_10 = tpu.memref_slice %arg2[%dma_start3A_8, %dma_start3A_9] : memref<10000x16xf32, #tpu.memory_space<hbm>> -> memref<10000x16xf32, #tpu.memory_space<hbm>>
    tpu.enqueue_indirect_dma source(%dma_start3A_10 : memref<10000x16xf32, #tpu.memory_space<hbm>>) target(%arg9 : memref<125x16xf32, #tpu.memory_space<vmem>>) offsets(%dma_start3A_7 : memref<125xi32, #tpu.memory_space<vmem>>) semaphore(%arg14 : memref<!tpu.dma_semaphore, #tpu.memory_space<semaphore_mem>>)
    %dma_start3A_11 = arith.constant 1 : i32
    %dma_start3A_12 = arith.constant 0 : i32
    %dma_start3A_13 = tpu.memref_slice %arg7[%dma_start3A_11, %dma_start3A_12] : memref<40x125xi32, #tpu.memory_space<vmem>> -> memref<1x125xi32, #tpu.memory_space<vmem>>
    %dma_start3A_14 = tpu.memref_squeeze %dma_start3A_13 : memref<1x125xi32, #tpu.memory_space<vmem>> -> memref<125xi32, #tpu.memory_space<vmem>>
    %dma_start3A_15 = arith.constant 0 : i32
    %dma_start3A_16 = arith.constant 0 : i32
    %dma_start3A_17 = tpu.memref_slice %arg2[%dma_start3A_15, %dma_start3A_16] : memref<10000x16xf32, #tpu.memory_space<hbm>> -> memref<10000x16xf32, #tpu.memory_space<hbm>>
    tpu.enqueue_indirect_dma source(%dma_start3A_17 : memref<10000x16xf32, #tpu.memory_space<hbm>>) target(%arg10 : memref<125x16xf32, #tpu.memory_space<vmem>>) offsets(%dma_start3A_14 : memref<125xi32, #tpu.memory_space<vmem>>) semaphore(%arg14 : memref<!tpu.dma_semaphore, #tpu.memory_space<semaphore_mem>>)
    %dma_start3A_18 = arith.constant 2 : i32
    %dma_start3A_19 = arith.constant 0 : i32
    %dma_start3A_20 = tpu.memref_slice %arg7[%dma_start3A_18, %dma_start3A_19] : memref<40x125xi32, #tpu.memory_space<vmem>> -> memref<1x125xi32, #tpu.memory_space<vmem>>
    %dma_start3A_21 = tpu.memref_squeeze %dma_start3A_20 : memref<1x125xi32, #tpu.memory_space<vmem>> -> memref<125xi32, #tpu.memory_space<vmem>>
    %dma_start3A_22 = arith.constant 0 : i32
    %dma_start3A_23 = arith.constant 0 : i32
    %dma_start3A_24 = tpu.memref_slice %arg2[%dma_start3A_22, %dma_start3A_23] : memref<10000x16xf32, #tpu.memory_space<hbm>> -> memref<10000x16xf32, #tpu.memory_space<hbm>>
    tpu.enqueue_indirect_dma source(%dma_start3A_24 : memref<10000x16xf32, #tpu.memory_space<hbm>>) target(%arg11 : memref<125x16xf32, #tpu.memory_space<vmem>>) offsets(%dma_start3A_21 : memref<125xi32, #tpu.memory_space<vmem>>) semaphore(%arg14 : memref<!tpu.dma_semaphore, #tpu.memory_space<semaphore_mem>>)
    %dma_wait3A = arith.constant 0 : i32
    %dma_wait3A_25 = arith.constant 0 : i32
    %dma_wait3A_26 = tpu.memref_slice %arg2[%dma_wait3A, %dma_wait3A_25] : memref<10000x16xf32, #tpu.memory_space<hbm>> -> memref<125x16xf32, #tpu.memory_space<hbm>>
    %dma_wait3A_27 = arith.constant 0 : i32
    %dma_wait3A_28 = arith.constant 0 : i32
    %dma_wait3A_29 = tpu.memref_slice %arg2[%dma_wait3A_27, %dma_wait3A_28] : memref<10000x16xf32, #tpu.memory_space<hbm>> -> memref<125x16xf32, #tpu.memory_space<hbm>>
    tpu.wait_dma2 semaphore(%arg14 : memref<!tpu.dma_semaphore, #tpu.memory_space<semaphore_mem>>) src(%dma_wait3A_29 : memref<125x16xf32, #tpu.memory_space<hbm>>) dst(%arg9 : memref<125x16xf32, #tpu.memory_space<vmem>>)
    %dma_start3A_30 = arith.constant 3 : i32
    %dma_start3A_31 = arith.constant 0 : i32
    %dma_start3A_32 = tpu.memref_slice %arg7[%dma_start3A_30, %dma_start3A_31] : memref<40x125xi32, #tpu.memory_space<vmem>> -> memref<1x125xi32, #tpu.memory_space<vmem>>
    %dma_start3A_33 = tpu.memref_squeeze %dma_start3A_32 : memref<1x125xi32, #tpu.memory_space<vmem>> -> memref<125xi32, #tpu.memory_space<vmem>>
    %dma_start3A_34 = arith.constant 0 : i32
    %dma_start3A_35 = arith.constant 0 : i32
    %dma_start3A_36 = tpu.memref_slice %arg2[%dma_start3A_34, %dma_start3A_35] : memref<10000x16xf32, #tpu.memory_space<hbm>> -> memref<10000x16xf32, #tpu.memory_space<hbm>>
    tpu.enqueue_indirect_dma source(%dma_start3A_36 : memref<10000x16xf32, #tpu.memory_space<hbm>>) target(%arg12 : memref<125x16xf32, #tpu.memory_space<vmem>>) offsets(%dma_start3A_33 : memref<125xi32, #tpu.memory_space<vmem>>) semaphore(%arg14 : memref<!tpu.dma_semaphore, #tpu.memory_space<semaphore_mem>>)
    %run_scoped3A = arith.constant 0 : i32
    "tpu.region"() ({
      %run_scoped3A_68 = tpu.sem_alloc : memref<!tpu.dma_semaphore, #tpu.memory_space<semaphore_mem>>
      %dma_start3A_69 = arith.constant 0 : i32
      %dma_start3A_70 = tpu.memref_slice %arg8[%run_scoped3A, %dma_start3A_69] : memref<40x125xi32, #tpu.memory_space<vmem>> -> memref<1x125xi32, #tpu.memory_space<vmem>>
      %dma_start3A_71 = tpu.memref_squeeze %dma_start3A_70 : memref<1x125xi32, #tpu.memory_space<vmem>> -> memref<125xi32, #tpu.memory_space<vmem>>
      %dma_start3A_72 = arith.constant 0 : i32
      %dma_start3A_73 = arith.constant 0 : i32
      %dma_start3A_74 = tpu.memref_slice %arg13[%dma_start3A_72, %dma_start3A_73] : memref<10240x16xf32, #tpu.memory_space<vmem_shared>> -> memref<10240x16xf32, #tpu.memory_space<vmem_shared>>
      tpu.enqueue_indirect_dma source(%arg9 : memref<125x16xf32, #tpu.memory_space<vmem>>) target(%dma_start3A_74 : memref<10240x16xf32, #tpu.memory_space<vmem_shared>>) offsets(%dma_start3A_71 : memref<125xi32, #tpu.memory_space<vmem>>) semaphore(%run_scoped3A_68 : memref<!tpu.dma_semaphore, #tpu.memory_space<semaphore_mem>>) {add = true}
      %dma_wait3A_75 = arith.constant 0 : i32
      %dma_wait3A_76 = tpu.memref_slice %arg8[%run_scoped3A, %dma_wait3A_75] : memref<40x125xi32, #tpu.memory_space<vmem>> -> memref<1x125xi32, #tpu.memory_space<vmem>>
      %dma_wait3A_77 = tpu.memref_squeeze %dma_wait3A_76 : memref<1x125xi32, #tpu.memory_space<vmem>> -> memref<125xi32, #tpu.memory_space<vmem>>
      %dma_wait3A_78 = arith.constant 0 : i32
      %dma_wait3A_79 = arith.constant 0 : i32
      %dma_wait3A_80 = tpu.memref_slice %arg13[%dma_wait3A_78, %dma_wait3A_79] : memref<10240x16xf32, #tpu.memory_space<vmem_shared>> -> memref<10240x16xf32, #tpu.memory_space<vmem_shared>>
      tpu.wait_indirect_dma semaphore(%run_scoped3A_68 : memref<!tpu.dma_semaphore, #tpu.memory_space<semaphore_mem>>) src(%arg9 : memref<125x16xf32, #tpu.memory_space<vmem>>) dst(%dma_wait3A_80 : memref<10240x16xf32, #tpu.memory_space<vmem_shared>>)
      tpu.yield
    }) : () -> ()
    %scan3A = arith.constant 0 : i32
    %scan3A_37 = arith.constant 0 : i32
    %scan3A_38 = arith.constant 9 : i32
    %scan3A_39 = arith.addi %scan3A_37, %scan3A_38 : i32
    %scan3A_40 = arith.constant 1 : i32
    scf.for %scan3A_68 = %scan3A_37 to %scan3A_39 step %scan3A_40  : i32 {
      %mul3A_69 = arith.constant 4 : i32
      %mul3A_70 = arith.muli %mul3A_69, %scan3A_68 : i32
      %add3A_71 = arith.constant 1 : i32
      %add3A_72 = arith.addi %mul3A_70, %add3A_71 : i32
      %dma_wait3A_73 = arith.constant 0 : i32
      %dma_wait3A_74 = arith.constant 0 : i32
      %dma_wait3A_75 = tpu.memref_slice %arg2[%dma_wait3A_73, %dma_wait3A_74] : memref<10000x16xf32, #tpu.memory_space<hbm>> -> memref<125x16xf32, #tpu.memory_space<hbm>>
      %dma_wait3A_76 = arith.constant 0 : i32
      %dma_wait3A_77 = arith.constant 0 : i32
      %dma_wait3A_78 = tpu.memref_slice %arg2[%dma_wait3A_76, %dma_wait3A_77] : memref<10000x16xf32, #tpu.memory_space<hbm>> -> memref<125x16xf32, #tpu.memory_space<hbm>>
      tpu.wait_dma2 semaphore(%arg14 : memref<!tpu.dma_semaphore, #tpu.memory_space<semaphore_mem>>) src(%dma_wait3A_78 : memref<125x16xf32, #tpu.memory_space<hbm>>) dst(%arg10 : memref<125x16xf32, #tpu.memory_space<vmem>>)
      %add3A_79 = arith.constant 3 : i32
      %add3A_80 = arith.addi %add3A_72, %add3A_79 : i32
      %dma_start3A_81 = arith.constant 0 : i32
      %dma_start3A_82 = tpu.memref_slice %arg7[%add3A_80, %dma_start3A_81] : memref<40x125xi32, #tpu.memory_space<vmem>> -> memref<1x125xi32, #tpu.memory_space<vmem>>
      %dma_start3A_83 = tpu.memref_squeeze %dma_start3A_82 : memref<1x125xi32, #tpu.memory_space<vmem>> -> memref<125xi32, #tpu.memory_space<vmem>>
      %dma_start3A_84 = arith.constant 0 : i32
      %dma_start3A_85 = arith.constant 0 : i32
      %dma_start3A_86 = tpu.memref_slice %arg2[%dma_start3A_84, %dma_start3A_85] : memref<10000x16xf32, #tpu.memory_space<hbm>> -> memref<10000x16xf32, #tpu.memory_space<hbm>>
      tpu.enqueue_indirect_dma source(%dma_start3A_86 : memref<10000x16xf32, #tpu.memory_space<hbm>>) target(%arg9 : memref<125x16xf32, #tpu.memory_space<vmem>>) offsets(%dma_start3A_83 : memref<125xi32, #tpu.memory_space<vmem>>) semaphore(%arg14 : memref<!tpu.dma_semaphore, #tpu.memory_space<semaphore_mem>>)
      "tpu.region"() ({
        %run_scoped3A_135 = tpu.sem_alloc : memref<!tpu.dma_semaphore, #tpu.memory_space<semaphore_mem>>
        %dma_start3A_136 = arith.constant 0 : i32
        %dma_start3A_137 = tpu.memref_slice %arg8[%add3A_72, %dma_start3A_136] : memref<40x125xi32, #tpu.memory_space<vmem>> -> memref<1x125xi32, #tpu.memory_space<vmem>>
        %dma_start3A_138 = tpu.memref_squeeze %dma_start3A_137 : memref<1x125xi32, #tpu.memory_space<vmem>> -> memref<125xi32, #tpu.memory_space<vmem>>
        %dma_start3A_139 = arith.constant 0 : i32
        %dma_start3A_140 = arith.constant 0 : i32
        %dma_start3A_141 = tpu.memref_slice %arg13[%dma_start3A_139, %dma_start3A_140] : memref<10240x16xf32, #tpu.memory_space<vmem_shared>> -> memref<10240x16xf32, #tpu.memory_space<vmem_shared>>
        tpu.enqueue_indirect_dma source(%arg10 : memref<125x16xf32, #tpu.memory_space<vmem>>) target(%dma_start3A_141 : memref<10240x16xf32, #tpu.memory_space<vmem_shared>>) offsets(%dma_start3A_138 : memref<125xi32, #tpu.memory_space<vmem>>) semaphore(%run_scoped3A_135 : memref<!tpu.dma_semaphore, #tpu.memory_space<semaphore_mem>>) {add = true}
        %dma_wait3A_142 = arith.constant 0 : i32
        %dma_wait3A_143 = tpu.memref_slice %arg8[%add3A_72, %dma_wait3A_142] : memref<40x125xi32, #tpu.memory_space<vmem>> -> memref<1x125xi32, #tpu.memory_space<vmem>>
        %dma_wait3A_144 = tpu.memref_squeeze %dma_wait3A_143 : memref<1x125xi32, #tpu.memory_space<vmem>> -> memref<125xi32, #tpu.memory_space<vmem>>
        %dma_wait3A_145 = arith.constant 0 : i32
        %dma_wait3A_146 = arith.constant 0 : i32
        %dma_wait3A_147 = tpu.memref_slice %arg13[%dma_wait3A_145, %dma_wait3A_146] : memref<10240x16xf32, #tpu.memory_space<vmem_shared>> -> memref<10240x16xf32, #tpu.memory_space<vmem_shared>>
        tpu.wait_indirect_dma semaphore(%run_scoped3A_135 : memref<!tpu.dma_semaphore, #tpu.memory_space<semaphore_mem>>) src(%arg10 : memref<125x16xf32, #tpu.memory_space<vmem>>) dst(%dma_wait3A_147 : memref<10240x16xf32, #tpu.memory_space<vmem_shared>>)
        tpu.yield
      }) : () -> ()
      %add3A_87 = arith.constant 2 : i32
      %add3A_88 = arith.addi %mul3A_70, %add3A_87 : i32
      %dma_wait3A_89 = arith.constant 0 : i32
      %dma_wait3A_90 = arith.constant 0 : i32
      %dma_wait3A_91 = tpu.memref_slice %arg2[%dma_wait3A_89, %dma_wait3A_90] : memref<10000x16xf32, #tpu.memory_space<hbm>> -> memref<125x16xf32, #tpu.memory_space<hbm>>
      %dma_wait3A_92 = arith.constant 0 : i32
      %dma_wait3A_93 = arith.constant 0 : i32
      %dma_wait3A_94 = tpu.memref_slice %arg2[%dma_wait3A_92, %dma_wait3A_93] : memref<10000x16xf32, #tpu.memory_space<hbm>> -> memref<125x16xf32, #tpu.memory_space<hbm>>
      tpu.wait_dma2 semaphore(%arg14 : memref<!tpu.dma_semaphore, #tpu.memory_space<semaphore_mem>>) src(%dma_wait3A_94 : memref<125x16xf32, #tpu.memory_space<hbm>>) dst(%arg11 : memref<125x16xf32, #tpu.memory_space<vmem>>)
      %add3A_95 = arith.constant 3 : i32
      %add3A_96 = arith.addi %add3A_88, %add3A_95 : i32
      %dma_start3A_97 = arith.constant 0 : i32
      %dma_start3A_98 = tpu.memref_slice %arg7[%add3A_96, %dma_start3A_97] : memref<40x125xi32, #tpu.memory_space<vmem>> -> memref<1x125xi32, #tpu.memory_space<vmem>>
      %dma_start3A_99 = tpu.memref_squeeze %dma_start3A_98 : memref<1x125xi32, #tpu.memory_space<vmem>> -> memref<125xi32, #tpu.memory_space<vmem>>
      %dma_start3A_100 = arith.constant 0 : i32
      %dma_start3A_101 = arith.constant 0 : i32
      %dma_start3A_102 = tpu.memref_slice %arg2[%dma_start3A_100, %dma_start3A_101] : memref<10000x16xf32, #tpu.memory_space<hbm>> -> memref<10000x16xf32, #tpu.memory_space<hbm>>
      tpu.enqueue_indirect_dma source(%dma_start3A_102 : memref<10000x16xf32, #tpu.memory_space<hbm>>) target(%arg10 : memref<125x16xf32, #tpu.memory_space<vmem>>) offsets(%dma_start3A_99 : memref<125xi32, #tpu.memory_space<vmem>>) semaphore(%arg14 : memref<!tpu.dma_semaphore, #tpu.memory_space<semaphore_mem>>)
      "tpu.region"() ({
        %run_scoped3A_135 = tpu.sem_alloc : memref<!tpu.dma_semaphore, #tpu.memory_space<semaphore_mem>>
        %dma_start3A_136 = arith.constant 0 : i32
        %dma_start3A_137 = tpu.memref_slice %arg8[%add3A_88, %dma_start3A_136] : memref<40x125xi32, #tpu.memory_space<vmem>> -> memref<1x125xi32, #tpu.memory_space<vmem>>
        %dma_start3A_138 = tpu.memref_squeeze %dma_start3A_137 : memref<1x125xi32, #tpu.memory_space<vmem>> -> memref<125xi32, #tpu.memory_space<vmem>>
        %dma_start3A_139 = arith.constant 0 : i32
        %dma_start3A_140 = arith.constant 0 : i32
        %dma_start3A_141 = tpu.memref_slice %arg13[%dma_start3A_139, %dma_start3A_140] : memref<10240x16xf32, #tpu.memory_space<vmem_shared>> -> memref<10240x16xf32, #tpu.memory_space<vmem_shared>>
        tpu.enqueue_indirect_dma source(%arg11 : memref<125x16xf32, #tpu.memory_space<vmem>>) target(%dma_start3A_141 : memref<10240x16xf32, #tpu.memory_space<vmem_shared>>) offsets(%dma_start3A_138 : memref<125xi32, #tpu.memory_space<vmem>>) semaphore(%run_scoped3A_135 : memref<!tpu.dma_semaphore, #tpu.memory_space<semaphore_mem>>) {add = true}
        %dma_wait3A_142 = arith.constant 0 : i32
        %dma_wait3A_143 = tpu.memref_slice %arg8[%add3A_88, %dma_wait3A_142] : memref<40x125xi32, #tpu.memory_space<vmem>> -> memref<1x125xi32, #tpu.memory_space<vmem>>
        %dma_wait3A_144 = tpu.memref_squeeze %dma_wait3A_143 : memref<1x125xi32, #tpu.memory_space<vmem>> -> memref<125xi32, #tpu.memory_space<vmem>>
        %dma_wait3A_145 = arith.constant 0 : i32
        %dma_wait3A_146 = arith.constant 0 : i32
        %dma_wait3A_147 = tpu.memref_slice %arg13[%dma_wait3A_145, %dma_wait3A_146] : memref<10240x16xf32, #tpu.memory_space<vmem_shared>> -> memref<10240x16xf32, #tpu.memory_space<vmem_shared>>
        tpu.wait_indirect_dma semaphore(%run_scoped3A_135 : memref<!tpu.dma_semaphore, #tpu.memory_space<semaphore_mem>>) src(%arg11 : memref<125x16xf32, #tpu.memory_space<vmem>>) dst(%dma_wait3A_147 : memref<10240x16xf32, #tpu.memory_space<vmem_shared>>)
        tpu.yield
      }) : () -> ()
      %add3A_103 = arith.constant 3 : i32
      %add3A_104 = arith.addi %mul3A_70, %add3A_103 : i32
      %dma_wait3A_105 = arith.constant 0 : i32
      %dma_wait3A_106 = arith.constant 0 : i32
      %dma_wait3A_107 = tpu.memref_slice %arg2[%dma_wait3A_105, %dma_wait3A_106] : memref<10000x16xf32, #tpu.memory_space<hbm>> -> memref<125x16xf32, #tpu.memory_space<hbm>>
      %dma_wait3A_108 = arith.constant 0 : i32
      %dma_wait3A_109 = arith.constant 0 : i32
      %dma_wait3A_110 = tpu.memref_slice %arg2[%dma_wait3A_108, %dma_wait3A_109] : memref<10000x16xf32, #tpu.memory_space<hbm>> -> memref<125x16xf32, #tpu.memory_space<hbm>>
      tpu.wait_dma2 semaphore(%arg14 : memref<!tpu.dma_semaphore, #tpu.memory_space<semaphore_mem>>) src(%dma_wait3A_110 : memref<125x16xf32, #tpu.memory_space<hbm>>) dst(%arg12 : memref<125x16xf32, #tpu.memory_space<vmem>>)
      %add3A_111 = arith.constant 3 : i32
      %add3A_112 = arith.addi %add3A_104, %add3A_111 : i32
      %dma_start3A_113 = arith.constant 0 : i32
      %dma_start3A_114 = tpu.memref_slice %arg7[%add3A_112, %dma_start3A_113] : memref<40x125xi32, #tpu.memory_space<vmem>> -> memref<1x125xi32, #tpu.memory_space<vmem>>
      %dma_start3A_115 = tpu.memref_squeeze %dma_start3A_114 : memref<1x125xi32, #tpu.memory_space<vmem>> -> memref<125xi32, #tpu.memory_space<vmem>>
      %dma_start3A_116 = arith.constant 0 : i32
      %dma_start3A_117 = arith.constant 0 : i32
      %dma_start3A_118 = tpu.memref_slice %arg2[%dma_start3A_116, %dma_start3A_117] : memref<10000x16xf32, #tpu.memory_space<hbm>> -> memref<10000x16xf32, #tpu.memory_space<hbm>>
      tpu.enqueue_indirect_dma source(%dma_start3A_118 : memref<10000x16xf32, #tpu.memory_space<hbm>>) target(%arg11 : memref<125x16xf32, #tpu.memory_space<vmem>>) offsets(%dma_start3A_115 : memref<125xi32, #tpu.memory_space<vmem>>) semaphore(%arg14 : memref<!tpu.dma_semaphore, #tpu.memory_space<semaphore_mem>>)
      "tpu.region"() ({
        %run_scoped3A_135 = tpu.sem_alloc : memref<!tpu.dma_semaphore, #tpu.memory_space<semaphore_mem>>
        %dma_start3A_136 = arith.constant 0 : i32
        %dma_start3A_137 = tpu.memref_slice %arg8[%add3A_104, %dma_start3A_136] : memref<40x125xi32, #tpu.memory_space<vmem>> -> memref<1x125xi32, #tpu.memory_space<vmem>>
        %dma_start3A_138 = tpu.memref_squeeze %dma_start3A_137 : memref<1x125xi32, #tpu.memory_space<vmem>> -> memref<125xi32, #tpu.memory_space<vmem>>
        %dma_start3A_139 = arith.constant 0 : i32
        %dma_start3A_140 = arith.constant 0 : i32
        %dma_start3A_141 = tpu.memref_slice %arg13[%dma_start3A_139, %dma_start3A_140] : memref<10240x16xf32, #tpu.memory_space<vmem_shared>> -> memref<10240x16xf32, #tpu.memory_space<vmem_shared>>
        tpu.enqueue_indirect_dma source(%arg12 : memref<125x16xf32, #tpu.memory_space<vmem>>) target(%dma_start3A_141 : memref<10240x16xf32, #tpu.memory_space<vmem_shared>>) offsets(%dma_start3A_138 : memref<125xi32, #tpu.memory_space<vmem>>) semaphore(%run_scoped3A_135 : memref<!tpu.dma_semaphore, #tpu.memory_space<semaphore_mem>>) {add = true}
        %dma_wait3A_142 = arith.constant 0 : i32
        %dma_wait3A_143 = tpu.memref_slice %arg8[%add3A_104, %dma_wait3A_142] : memref<40x125xi32, #tpu.memory_space<vmem>> -> memref<1x125xi32, #tpu.memory_space<vmem>>
        %dma_wait3A_144 = tpu.memref_squeeze %dma_wait3A_143 : memref<1x125xi32, #tpu.memory_space<vmem>> -> memref<125xi32, #tpu.memory_space<vmem>>
        %dma_wait3A_145 = arith.constant 0 : i32
        %dma_wait3A_146 = arith.constant 0 : i32
        %dma_wait3A_147 = tpu.memref_slice %arg13[%dma_wait3A_145, %dma_wait3A_146] : memref<10240x16xf32, #tpu.memory_space<vmem_shared>> -> memref<10240x16xf32, #tpu.memory_space<vmem_shared>>
        tpu.wait_indirect_dma semaphore(%run_scoped3A_135 : memref<!tpu.dma_semaphore, #tpu.memory_space<semaphore_mem>>) src(%arg12 : memref<125x16xf32, #tpu.memory_space<vmem>>) dst(%dma_wait3A_147 : memref<10240x16xf32, #tpu.memory_space<vmem_shared>>)
        tpu.yield
      }) : () -> ()
      %add3A_119 = arith.constant 4 : i32
      %add3A_120 = arith.addi %mul3A_70, %add3A_119 : i32
      %dma_wait3A_121 = arith.constant 0 : i32
      %dma_wait3A_122 = arith.constant 0 : i32
      %dma_wait3A_123 = tpu.memref_slice %arg2[%dma_wait3A_121, %dma_wait3A_122] : memref<10000x16xf32, #tpu.memory_space<hbm>> -> memref<125x16xf32, #tpu.memory_space<hbm>>
      %dma_wait3A_124 = arith.constant 0 : i32
      %dma_wait3A_125 = arith.constant 0 : i32
      %dma_wait3A_126 = tpu.memref_slice %arg2[%dma_wait3A_124, %dma_wait3A_125] : memref<10000x16xf32, #tpu.memory_space<hbm>> -> memref<125x16xf32, #tpu.memory_space<hbm>>
      tpu.wait_dma2 semaphore(%arg14 : memref<!tpu.dma_semaphore, #tpu.memory_space<semaphore_mem>>) src(%dma_wait3A_126 : memref<125x16xf32, #tpu.memory_space<hbm>>) dst(%arg9 : memref<125x16xf32, #tpu.memory_space<vmem>>)
      %add3A_127 = arith.constant 3 : i32
      %add3A_128 = arith.addi %add3A_120, %add3A_127 : i32
      %dma_start3A_129 = arith.constant 0 : i32
      %dma_start3A_130 = tpu.memref_slice %arg7[%add3A_128, %dma_start3A_129] : memref<40x125xi32, #tpu.memory_space<vmem>> -> memref<1x125xi32, #tpu.memory_space<vmem>>
      %dma_start3A_131 = tpu.memref_squeeze %dma_start3A_130 : memref<1x125xi32, #tpu.memory_space<vmem>> -> memref<125xi32, #tpu.memory_space<vmem>>
      %dma_start3A_132 = arith.constant 0 : i32
      %dma_start3A_133 = arith.constant 0 : i32
      %dma_start3A_134 = tpu.memref_slice %arg2[%dma_start3A_132, %dma_start3A_133] : memref<10000x16xf32, #tpu.memory_space<hbm>> -> memref<10000x16xf32, #tpu.memory_space<hbm>>
      tpu.enqueue_indirect_dma source(%dma_start3A_134 : memref<10000x16xf32, #tpu.memory_space<hbm>>) target(%arg12 : memref<125x16xf32, #tpu.memory_space<vmem>>) offsets(%dma_start3A_131 : memref<125xi32, #tpu.memory_space<vmem>>) semaphore(%arg14 : memref<!tpu.dma_semaphore, #tpu.memory_space<semaphore_mem>>)
      "tpu.region"() ({
        %run_scoped3A_135 = tpu.sem_alloc : memref<!tpu.dma_semaphore, #tpu.memory_space<semaphore_mem>>
        %dma_start3A_136 = arith.constant 0 : i32
        %dma_start3A_137 = tpu.memref_slice %arg8[%add3A_120, %dma_start3A_136] : memref<40x125xi32, #tpu.memory_space<vmem>> -> memref<1x125xi32, #tpu.memory_space<vmem>>
        %dma_start3A_138 = tpu.memref_squeeze %dma_start3A_137 : memref<1x125xi32, #tpu.memory_space<vmem>> -> memref<125xi32, #tpu.memory_space<vmem>>
        %dma_start3A_139 = arith.constant 0 : i32
        %dma_start3A_140 = arith.constant 0 : i32
        %dma_start3A_141 = tpu.memref_slice %arg13[%dma_start3A_139, %dma_start3A_140] : memref<10240x16xf32, #tpu.memory_space<vmem_shared>> -> memref<10240x16xf32, #tpu.memory_space<vmem_shared>>
        tpu.enqueue_indirect_dma source(%arg9 : memref<125x16xf32, #tpu.memory_space<vmem>>) target(%dma_start3A_141 : memref<10240x16xf32, #tpu.memory_space<vmem_shared>>) offsets(%dma_start3A_138 : memref<125xi32, #tpu.memory_space<vmem>>) semaphore(%run_scoped3A_135 : memref<!tpu.dma_semaphore, #tpu.memory_space<semaphore_mem>>) {add = true}
        %dma_wait3A_142 = arith.constant 0 : i32
        %dma_wait3A_143 = tpu.memref_slice %arg8[%add3A_120, %dma_wait3A_142] : memref<40x125xi32, #tpu.memory_space<vmem>> -> memref<1x125xi32, #tpu.memory_space<vmem>>
        %dma_wait3A_144 = tpu.memref_squeeze %dma_wait3A_143 : memref<1x125xi32, #tpu.memory_space<vmem>> -> memref<125xi32, #tpu.memory_space<vmem>>
        %dma_wait3A_145 = arith.constant 0 : i32
        %dma_wait3A_146 = arith.constant 0 : i32
        %dma_wait3A_147 = tpu.memref_slice %arg13[%dma_wait3A_145, %dma_wait3A_146] : memref<10240x16xf32, #tpu.memory_space<vmem_shared>> -> memref<10240x16xf32, #tpu.memory_space<vmem_shared>>
        tpu.wait_indirect_dma semaphore(%run_scoped3A_135 : memref<!tpu.dma_semaphore, #tpu.memory_space<semaphore_mem>>) src(%arg9 : memref<125x16xf32, #tpu.memory_space<vmem>>) dst(%dma_wait3A_147 : memref<10240x16xf32, #tpu.memory_space<vmem_shared>>)
        tpu.yield
      }) : () -> ()
    }
    %scan3A_41 = arith.constant 9 : i32
    %dma_wait3A_42 = arith.constant 0 : i32
    %dma_wait3A_43 = arith.constant 0 : i32
    %dma_wait3A_44 = tpu.memref_slice %arg2[%dma_wait3A_42, %dma_wait3A_43] : memref<10000x16xf32, #tpu.memory_space<hbm>> -> memref<125x16xf32, #tpu.memory_space<hbm>>
    %dma_wait3A_45 = arith.constant 0 : i32
    %dma_wait3A_46 = arith.constant 0 : i32
    %dma_wait3A_47 = tpu.memref_slice %arg2[%dma_wait3A_45, %dma_wait3A_46] : memref<10000x16xf32, #tpu.memory_space<hbm>> -> memref<125x16xf32, #tpu.memory_space<hbm>>
    tpu.wait_dma2 semaphore(%arg14 : memref<!tpu.dma_semaphore, #tpu.memory_space<semaphore_mem>>) src(%dma_wait3A_47 : memref<125x16xf32, #tpu.memory_space<hbm>>) dst(%arg10 : memref<125x16xf32, #tpu.memory_space<vmem>>)
    %run_scoped3A_48 = arith.constant 37 : i32
    "tpu.region"() ({
      %run_scoped3A_68 = tpu.sem_alloc : memref<!tpu.dma_semaphore, #tpu.memory_space<semaphore_mem>>
      %dma_start3A_69 = arith.constant 0 : i32
      %dma_start3A_70 = tpu.memref_slice %arg8[%run_scoped3A_48, %dma_start3A_69] : memref<40x125xi32, #tpu.memory_space<vmem>> -> memref<1x125xi32, #tpu.memory_space<vmem>>
      %dma_start3A_71 = tpu.memref_squeeze %dma_start3A_70 : memref<1x125xi32, #tpu.memory_space<vmem>> -> memref<125xi32, #tpu.memory_space<vmem>>
      %dma_start3A_72 = arith.constant 0 : i32
      %dma_start3A_73 = arith.constant 0 : i32
      %dma_start3A_74 = tpu.memref_slice %arg13[%dma_start3A_72, %dma_start3A_73] : memref<10240x16xf32, #tpu.memory_space<vmem_shared>> -> memref<10240x16xf32, #tpu.memory_space<vmem_shared>>
      tpu.enqueue_indirect_dma source(%arg10 : memref<125x16xf32, #tpu.memory_space<vmem>>) target(%dma_start3A_74 : memref<10240x16xf32, #tpu.memory_space<vmem_shared>>) offsets(%dma_start3A_71 : memref<125xi32, #tpu.memory_space<vmem>>) semaphore(%run_scoped3A_68 : memref<!tpu.dma_semaphore, #tpu.memory_space<semaphore_mem>>) {add = true}
      %dma_wait3A_75 = arith.constant 0 : i32
      %dma_wait3A_76 = tpu.memref_slice %arg8[%run_scoped3A_48, %dma_wait3A_75] : memref<40x125xi32, #tpu.memory_space<vmem>> -> memref<1x125xi32, #tpu.memory_space<vmem>>
      %dma_wait3A_77 = tpu.memref_squeeze %dma_wait3A_76 : memref<1x125xi32, #tpu.memory_space<vmem>> -> memref<125xi32, #tpu.memory_space<vmem>>
      %dma_wait3A_78 = arith.constant 0 : i32
      %dma_wait3A_79 = arith.constant 0 : i32
      %dma_wait3A_80 = tpu.memref_slice %arg13[%dma_wait3A_78, %dma_wait3A_79] : memref<10240x16xf32, #tpu.memory_space<vmem_shared>> -> memref<10240x16xf32, #tpu.memory_space<vmem_shared>>
      tpu.wait_indirect_dma semaphore(%run_scoped3A_68 : memref<!tpu.dma_semaphore, #tpu.memory_space<semaphore_mem>>) src(%arg10 : memref<125x16xf32, #tpu.memory_space<vmem>>) dst(%dma_wait3A_80 : memref<10240x16xf32, #tpu.memory_space<vmem_shared>>)
      tpu.yield
    }) : () -> ()
    %dma_wait3A_49 = arith.constant 0 : i32
    %dma_wait3A_50 = arith.constant 0 : i32
    %dma_wait3A_51 = tpu.memref_slice %arg2[%dma_wait3A_49, %dma_wait3A_50] : memref<10000x16xf32, #tpu.memory_space<hbm>> -> memref<125x16xf32, #tpu.memory_space<hbm>>
    %dma_wait3A_52 = arith.constant 0 : i32
    %dma_wait3A_53 = arith.constant 0 : i32
    %dma_wait3A_54 = tpu.memref_slice %arg2[%dma_wait3A_52, %dma_wait3A_53] : memref<10000x16xf32, #tpu.memory_space<hbm>> -> memref<125x16xf32, #tpu.memory_space<hbm>>
    tpu.wait_dma2 semaphore(%arg14 : memref<!tpu.dma_semaphore, #tpu.memory_space<semaphore_mem>>) src(%dma_wait3A_54 : memref<125x16xf32, #tpu.memory_space<hbm>>) dst(%arg11 : memref<125x16xf32, #tpu.memory_space<vmem>>)
    %run_scoped3A_55 = arith.constant 38 : i32
    "tpu.region"() ({
      %run_scoped3A_68 = tpu.sem_alloc : memref<!tpu.dma_semaphore, #tpu.memory_space<semaphore_mem>>
      %dma_start3A_69 = arith.constant 0 : i32
      %dma_start3A_70 = tpu.memref_slice %arg8[%run_scoped3A_55, %dma_start3A_69] : memref<40x125xi32, #tpu.memory_space<vmem>> -> memref<1x125xi32, #tpu.memory_space<vmem>>
      %dma_start3A_71 = tpu.memref_squeeze %dma_start3A_70 : memref<1x125xi32, #tpu.memory_space<vmem>> -> memref<125xi32, #tpu.memory_space<vmem>>
      %dma_start3A_72 = arith.constant 0 : i32
      %dma_start3A_73 = arith.constant 0 : i32
      %dma_start3A_74 = tpu.memref_slice %arg13[%dma_start3A_72, %dma_start3A_73] : memref<10240x16xf32, #tpu.memory_space<vmem_shared>> -> memref<10240x16xf32, #tpu.memory_space<vmem_shared>>
      tpu.enqueue_indirect_dma source(%arg11 : memref<125x16xf32, #tpu.memory_space<vmem>>) target(%dma_start3A_74 : memref<10240x16xf32, #tpu.memory_space<vmem_shared>>) offsets(%dma_start3A_71 : memref<125xi32, #tpu.memory_space<vmem>>) semaphore(%run_scoped3A_68 : memref<!tpu.dma_semaphore, #tpu.memory_space<semaphore_mem>>) {add = true}
      %dma_wait3A_75 = arith.constant 0 : i32
      %dma_wait3A_76 = tpu.memref_slice %arg8[%run_scoped3A_55, %dma_wait3A_75] : memref<40x125xi32, #tpu.memory_space<vmem>> -> memref<1x125xi32, #tpu.memory_space<vmem>>
      %dma_wait3A_77 = tpu.memref_squeeze %dma_wait3A_76 : memref<1x125xi32, #tpu.memory_space<vmem>> -> memref<125xi32, #tpu.memory_space<vmem>>
      %dma_wait3A_78 = arith.constant 0 : i32
      %dma_wait3A_79 = arith.constant 0 : i32
      %dma_wait3A_80 = tpu.memref_slice %arg13[%dma_wait3A_78, %dma_wait3A_79] : memref<10240x16xf32, #tpu.memory_space<vmem_shared>> -> memref<10240x16xf32, #tpu.memory_space<vmem_shared>>
      tpu.wait_indirect_dma semaphore(%run_scoped3A_68 : memref<!tpu.dma_semaphore, #tpu.memory_space<semaphore_mem>>) src(%arg11 : memref<125x16xf32, #tpu.memory_space<vmem>>) dst(%dma_wait3A_80 : memref<10240x16xf32, #tpu.memory_space<vmem_shared>>)
      tpu.yield
    }) : () -> ()
    %dma_wait3A_56 = arith.constant 0 : i32
    %dma_wait3A_57 = arith.constant 0 : i32
    %dma_wait3A_58 = tpu.memref_slice %arg2[%dma_wait3A_56, %dma_wait3A_57] : memref<10000x16xf32, #tpu.memory_space<hbm>> -> memref<125x16xf32, #tpu.memory_space<hbm>>
    %dma_wait3A_59 = arith.constant 0 : i32
    %dma_wait3A_60 = arith.constant 0 : i32
    %dma_wait3A_61 = tpu.memref_slice %arg2[%dma_wait3A_59, %dma_wait3A_60] : memref<10000x16xf32, #tpu.memory_space<hbm>> -> memref<125x16xf32, #tpu.memory_space<hbm>>
    tpu.wait_dma2 semaphore(%arg14 : memref<!tpu.dma_semaphore, #tpu.memory_space<semaphore_mem>>) src(%dma_wait3A_61 : memref<125x16xf32, #tpu.memory_space<hbm>>) dst(%arg12 : memref<125x16xf32, #tpu.memory_space<vmem>>)
    %run_scoped3A_62 = arith.constant 39 : i32
    "tpu.region"() ({
      %run_scoped3A_68 = tpu.sem_alloc : memref<!tpu.dma_semaphore, #tpu.memory_space<semaphore_mem>>
      %dma_start3A_69 = arith.constant 0 : i32
      %dma_start3A_70 = tpu.memref_slice %arg8[%run_scoped3A_62, %dma_start3A_69] : memref<40x125xi32, #tpu.memory_space<vmem>> -> memref<1x125xi32, #tpu.memory_space<vmem>>
      %dma_start3A_71 = tpu.memref_squeeze %dma_start3A_70 : memref<1x125xi32, #tpu.memory_space<vmem>> -> memref<125xi32, #tpu.memory_space<vmem>>
      %dma_start3A_72 = arith.constant 0 : i32
      %dma_start3A_73 = arith.constant 0 : i32
      %dma_start3A_74 = tpu.memref_slice %arg13[%dma_start3A_72, %dma_start3A_73] : memref<10240x16xf32, #tpu.memory_space<vmem_shared>> -> memref<10240x16xf32, #tpu.memory_space<vmem_shared>>
      tpu.enqueue_indirect_dma source(%arg12 : memref<125x16xf32, #tpu.memory_space<vmem>>) target(%dma_start3A_74 : memref<10240x16xf32, #tpu.memory_space<vmem_shared>>) offsets(%dma_start3A_71 : memref<125xi32, #tpu.memory_space<vmem>>) semaphore(%run_scoped3A_68 : memref<!tpu.dma_semaphore, #tpu.memory_space<semaphore_mem>>) {add = true}
      %dma_wait3A_75 = arith.constant 0 : i32
      %dma_wait3A_76 = tpu.memref_slice %arg8[%run_scoped3A_62, %dma_wait3A_75] : memref<40x125xi32, #tpu.memory_space<vmem>> -> memref<1x125xi32, #tpu.memory_space<vmem>>
      %dma_wait3A_77 = tpu.memref_squeeze %dma_wait3A_76 : memref<1x125xi32, #tpu.memory_space<vmem>> -> memref<125xi32, #tpu.memory_space<vmem>>
      %dma_wait3A_78 = arith.constant 0 : i32
      %dma_wait3A_79 = arith.constant 0 : i32
      %dma_wait3A_80 = tpu.memref_slice %arg13[%dma_wait3A_78, %dma_wait3A_79] : memref<10240x16xf32, #tpu.memory_space<vmem_shared>> -> memref<10240x16xf32, #tpu.memory_space<vmem_shared>>
      tpu.wait_indirect_dma semaphore(%run_scoped3A_68 : memref<!tpu.dma_semaphore, #tpu.memory_space<semaphore_mem>>) src(%arg12 : memref<125x16xf32, #tpu.memory_space<vmem>>) dst(%dma_wait3A_80 : memref<10240x16xf32, #tpu.memory_space<vmem_shared>>)
      tpu.yield
    }) : () -> ()
    %barrier3A_63 = arith.constant 0 : index
    tpu.barrier barrier_id(%barrier3A_63)
    %mul3A_64 = arith.constant 640 : i32
    %mul3A_65 = arith.muli %arg1, %mul3A_64 : i32
    %mul3A_66 = arith.constant 640 : i32
    %mul3A_67 = arith.muli %arg1, %mul3A_66 : i32
    "tpu.region"() ({
      %run_scoped3A_68 = tpu.sem_alloc : memref<!tpu.dma_semaphore, #tpu.memory_space<semaphore_mem>>
      %dma_start3A_69 = arith.constant 0 : i32
      %dma_start3A_70 = tpu.memref_slice %arg6[%arg0, %mul3A_67, %dma_start3A_69] : memref<2x10240x16xf32, #tpu.memory_space<hbm>> -> memref<1x640x16xf32, #tpu.memory_space<hbm>>
      %dma_start3A_71 = tpu.memref_squeeze %dma_start3A_70 : memref<1x640x16xf32, #tpu.memory_space<hbm>> -> memref<640x16xf32, #tpu.memory_space<hbm>>
      %dma_start3A_72 = arith.constant 0 : i32
      %dma_start3A_73 = tpu.memref_slice %arg13[%mul3A_65, %dma_start3A_72] : memref<10240x16xf32, #tpu.memory_space<vmem_shared>> -> memref<640x16xf32, #tpu.memory_space<vmem_shared>>
      tpu.enqueue_dma source(%dma_start3A_73 : memref<640x16xf32, #tpu.memory_space<vmem_shared>>) target(%dma_start3A_71 : memref<640x16xf32, #tpu.memory_space<hbm>>) target_semaphore(%run_scoped3A_68 : memref<!tpu.dma_semaphore, #tpu.memory_space<semaphore_mem>>)
      %dma_wait3A_74 = arith.constant 0 : i32
      %dma_wait3A_75 = tpu.memref_slice %arg6[%arg0, %mul3A_67, %dma_wait3A_74] : memref<2x10240x16xf32, #tpu.memory_space<hbm>> -> memref<1x640x16xf32, #tpu.memory_space<hbm>>
      %dma_wait3A_76 = tpu.memref_squeeze %dma_wait3A_75 : memref<1x640x16xf32, #tpu.memory_space<hbm>> -> memref<640x16xf32, #tpu.memory_space<hbm>>
      %dma_wait3A_77 = arith.constant 0 : i32
      %dma_wait3A_78 = tpu.memref_slice %arg13[%mul3A_65, %dma_wait3A_77] : memref<10240x16xf32, #tpu.memory_space<vmem_shared>> -> memref<640x16xf32, #tpu.memory_space<vmem_shared>>
      tpu.wait_dma2 semaphore(%run_scoped3A_68 : memref<!tpu.dma_semaphore, #tpu.memory_space<semaphore_mem>>) src(%dma_wait3A_78 : memref<640x16xf32, #tpu.memory_space<vmem_shared>>) dst(%dma_wait3A_76 : memref<640x16xf32, #tpu.memory_space<hbm>>)
      tpu.yield
    }) : () -> ()
    return
  }
}

module attributes {stable_mosaic.version = 14 : i64} {
  func.func @_prep1_body(%arg0: i32, %arg1: memref<2x1000x16xf32, #tpu.memory_space<vmem>>, %arg2: memref<1000x128xf32, #tpu.memory_space<vmem>>, %arg3: memref<128x32xf32, #tpu.memory_space<vmem>>, %arg4: memref<1000x32xf32, #tpu.memory_space<vmem>>) attributes {dimension_semantics = [#tpu.dimension_semantics<arbitrary>], iteration_bounds = array<i64: 10>, scalar_prefetch = 0 : i64, scratch_operands = 0 : i64, tpu.core_type = #tpu.core_type<tc>, window_params = [{transform_indices = @transform_0, window_bounds = array<i64: 2, 1000, 16>}, {transform_indices = @transform_1, window_bounds = array<i64: 1000, 128>}, {pipeline_mode = #tpu.pipeline_mode<synchronous>, transform_indices = @transform_2, window_bounds = array<i64: 128, 32>}, {transform_indices = @transform_3, window_bounds = array<i64: 1000, 32>}]} {
    %get3A = arith.constant 0 : index
    %get3A_0 = arith.constant 0 : index
    %get3A_1 = arith.constant 0 : index
    %get3A_2 = vector.load %arg1[%get3A, %get3A_0, %get3A_1] : memref<2x1000x16xf32, #tpu.memory_space<vmem>>, vector<1x1000x1xf32>
    %get3A_3 = vector.shape_cast %get3A_2 : vector<1x1000x1xf32> to vector<1000xf32>
    %get3A_4 = arith.constant 1 : index
    %get3A_5 = arith.constant 0 : index
    %get3A_6 = arith.constant 0 : index
    %get3A_7 = vector.load %arg1[%get3A_4, %get3A_5, %get3A_6] : memref<2x1000x16xf32, #tpu.memory_space<vmem>>, vector<1x1000x1xf32>
    %get3A_8 = vector.shape_cast %get3A_7 : vector<1x1000x1xf32> to vector<1000xf32>
    %add3A = arith.addf %get3A_3, %get3A_8 : vector<1000xf32>
    %add3A_9 = arith.constant 1.000000e+00 : f32
    %add3A_10 = vector.broadcast %add3A_9 : f32 to vector<1000xf32>
    %add3A_11 = arith.addf %add3A, %add3A_10 : vector<1000xf32>
    %max3A = arith.constant 1.000000e+00 : f32
    %max3A_12 = vector.broadcast %max3A : f32 to vector<1000xf32>
    %max3A_13 = arith.maximumf %add3A_11, %max3A_12 : vector<1000xf32>
    %rsqrt3A = math.rsqrt %max3A_13 : vector<1000xf32>
    %get3A_14 = arith.constant 0 : index
    %get3A_15 = arith.constant 0 : index
    %get3A_16 = vector.load %arg2[%get3A_14, %get3A_15] : memref<1000x128xf32, #tpu.memory_space<vmem>>, vector<1000x128xf32>
    %get3A_17 = arith.constant 0 : index
    %get3A_18 = arith.constant 0 : index
    %get3A_19 = vector.load %arg3[%get3A_17, %get3A_18] : memref<128x32xf32, #tpu.memory_space<vmem>>, vector<128x32xf32>
    %dot_general3A = arith.constant dense<0.000000e+00> : vector<1000x32xf32>
    %dot_general3A_20 = tpu.matmul %get3A_16, %get3A_19, %dot_general3A {dimension_numbers = #tpu.dot_dimension_numbers<[1], [0], [0], [1], [0, 0, 1, 1], [], []>, transpose_lhs_hint = false} : vector<1000x128xf32>, vector<128x32xf32>, vector<1000x32xf32> -> vector<1000x32xf32>
    %broadcast_in_dim3A = vector.shape_cast %rsqrt3A : vector<1000xf32> to vector<1000x1xf32>
    %mul3A = vector.broadcast %broadcast_in_dim3A : vector<1000x1xf32> to vector<1000x32xf32>
    %mul3A_21 = arith.mulf %dot_general3A_20, %mul3A : vector<1000x32xf32>
    %swap3A = arith.constant 0 : index
    %swap3A_22 = arith.constant 0 : index
    %swap3A_23 = vector.load %arg4[%swap3A, %swap3A_22] : memref<1000x32xf32, #tpu.memory_space<vmem>>, vector<1000x32xf32>
    tpu.vector_store %arg4[%swap3A, %swap3A_22], %mul3A_21 {strides = array<i32>} : memref<1000x32xf32, #tpu.memory_space<vmem>>, vector<1000x32xf32>,
    return
  }
  func.func @transform_0(%arg0: i32) -> (i32, i32, i32) {
    %c0_i32 = arith.constant 0 : i32
    %c0_i32_0 = arith.constant 0 : i32
    %c0_i32_1 = arith.constant 0 : i32
    return %c0_i32, %arg0, %c0_i32_0 : i32, i32, i32
  }
  func.func @transform_1(%arg0: i32) -> (i32, i32) {
    %c0_i32 = arith.constant 0 : i32
    %c0_i32_0 = arith.constant 0 : i32
    return %arg0, %c0_i32 : i32, i32
  }
  func.func @transform_2(%arg0: i32) -> (i32, i32) {
    %c0_i32 = arith.constant 0 : i32
    %c0_i32_0 = arith.constant 0 : i32
    %c0_i32_1 = arith.constant 0 : i32
    return %c0_i32, %c0_i32_0 : i32, i32
  }
  func.func @transform_3(%arg0: i32) -> (i32, i32) {
    %c0_i32 = arith.constant 0 : i32
    %c0_i32_0 = arith.constant 0 : i32
    return %arg0, %c0_i32 : i32, i32
  }
}

module attributes {stable_mosaic.version = 14 : i64} {
  func.func @_prep2_body(%arg0: i32, %arg1: memref<2x1000x16xf32, #tpu.memory_space<vmem>>, %arg2: memref<1000x32xf32, #tpu.memory_space<vmem>>, %arg3: memref<2x1000x32xf32, #tpu.memory_space<vmem>>, %arg4: memref<32x16xf32, #tpu.memory_space<vmem>>, %arg5: memref<1000x16xf32, #tpu.memory_space<vmem>>) attributes {dimension_semantics = [#tpu.dimension_semantics<arbitrary>], iteration_bounds = array<i64: 10>, scalar_prefetch = 0 : i64, scratch_operands = 0 : i64, tpu.core_type = #tpu.core_type<tc>, window_params = [{transform_indices = @transform_0, window_bounds = array<i64: 2, 1000, 16>}, {transform_indices = @transform_1, window_bounds = array<i64: 1000, 32>}, {transform_indices = @transform_2, window_bounds = array<i64: 2, 1000, 32>}, {pipeline_mode = #tpu.pipeline_mode<synchronous>, transform_indices = @transform_3, window_bounds = array<i64: 32, 16>}, {transform_indices = @transform_4, window_bounds = array<i64: 1000, 16>}]} {
    %get3A = arith.constant 0 : index
    %get3A_0 = arith.constant 0 : index
    %get3A_1 = arith.constant 0 : index
    %get3A_2 = vector.load %arg1[%get3A, %get3A_0, %get3A_1] : memref<2x1000x16xf32, #tpu.memory_space<vmem>>, vector<1x1000x1xf32>
    %get3A_3 = vector.shape_cast %get3A_2 : vector<1x1000x1xf32> to vector<1000xf32>
    %get3A_4 = arith.constant 1 : index
    %get3A_5 = arith.constant 0 : index
    %get3A_6 = arith.constant 0 : index
    %get3A_7 = vector.load %arg1[%get3A_4, %get3A_5, %get3A_6] : memref<2x1000x16xf32, #tpu.memory_space<vmem>>, vector<1x1000x1xf32>
    %get3A_8 = vector.shape_cast %get3A_7 : vector<1x1000x1xf32> to vector<1000xf32>
    %add3A = arith.addf %get3A_3, %get3A_8 : vector<1000xf32>
    %add3A_9 = arith.constant 1.000000e+00 : f32
    %add3A_10 = vector.broadcast %add3A_9 : f32 to vector<1000xf32>
    %add3A_11 = arith.addf %add3A, %add3A_10 : vector<1000xf32>
    %max3A = arith.constant 1.000000e+00 : f32
    %max3A_12 = vector.broadcast %max3A : f32 to vector<1000xf32>
    %max3A_13 = arith.maximumf %add3A_11, %max3A_12 : vector<1000xf32>
    %rsqrt3A = math.rsqrt %max3A_13 : vector<1000xf32>
    %get3A_14 = arith.constant 0 : index
    %get3A_15 = arith.constant 0 : index
    %get3A_16 = vector.load %arg2[%get3A_14, %get3A_15] : memref<1000x32xf32, #tpu.memory_space<vmem>>, vector<1000x32xf32>
    %get3A_17 = arith.constant 0 : index
    %get3A_18 = arith.constant 0 : index
    %get3A_19 = arith.constant 0 : index
    %get3A_20 = vector.load %arg3[%get3A_17, %get3A_18, %get3A_19] : memref<2x1000x32xf32, #tpu.memory_space<vmem>>, vector<1x1000x32xf32>
    %get3A_21 = vector.shape_cast %get3A_20 : vector<1x1000x32xf32> to vector<1000x32xf32>
    %add3A_22 = arith.addf %get3A_16, %get3A_21 : vector<1000x32xf32>
    %get3A_23 = arith.constant 1 : index
    %get3A_24 = arith.constant 0 : index
    %get3A_25 = arith.constant 0 : index
    %get3A_26 = vector.load %arg3[%get3A_23, %get3A_24, %get3A_25] : memref<2x1000x32xf32, #tpu.memory_space<vmem>>, vector<1x1000x32xf32>
    %get3A_27 = vector.shape_cast %get3A_26 : vector<1x1000x32xf32> to vector<1000x32xf32>
    %add3A_28 = arith.addf %add3A_22, %get3A_27 : vector<1000x32xf32>
    %broadcast_in_dim3A = vector.shape_cast %rsqrt3A : vector<1000xf32> to vector<1000x1xf32>
    %mul3A = vector.broadcast %broadcast_in_dim3A : vector<1000x1xf32> to vector<1000x32xf32>
    %mul3A_29 = arith.mulf %add3A_28, %mul3A : vector<1000x32xf32>
    %max3A_30 = arith.constant 0.000000e+00 : f32
    %max3A_31 = vector.broadcast %max3A_30 : f32 to vector<1000x32xf32>
    %max3A_32 = arith.maximumf %mul3A_29, %max3A_31 : vector<1000x32xf32>
    %get3A_33 = arith.constant 0 : index
    %get3A_34 = arith.constant 0 : index
    %get3A_35 = vector.load %arg4[%get3A_33, %get3A_34] : memref<32x16xf32, #tpu.memory_space<vmem>>, vector<32x16xf32>
    %dot_general3A = arith.constant dense<0.000000e+00> : vector<1000x16xf32>
    %dot_general3A_36 = tpu.matmul %max3A_32, %get3A_35, %dot_general3A {dimension_numbers = #tpu.dot_dimension_numbers<[1], [0], [0], [1], [0, 0, 1, 1], [], []>, transpose_lhs_hint = false} : vector<1000x32xf32>, vector<32x16xf32>, vector<1000x16xf32> -> vector<1000x16xf32>
    %broadcast_in_dim3A_37 = vector.shape_cast %rsqrt3A : vector<1000xf32> to vector<1000x1xf32>
    %mul3A_38 = vector.broadcast %broadcast_in_dim3A_37 : vector<1000x1xf32> to vector<1000x16xf32>
    %mul3A_39 = arith.mulf %dot_general3A_36, %mul3A_38 : vector<1000x16xf32>
    %swap3A = arith.constant 0 : index
    %swap3A_40 = arith.constant 0 : index
    %swap3A_41 = vector.load %arg5[%swap3A, %swap3A_40] : memref<1000x16xf32, #tpu.memory_space<vmem>>, vector<1000x16xf32>
    tpu.vector_store %arg5[%swap3A, %swap3A_40], %mul3A_39 {strides = array<i32>} : memref<1000x16xf32, #tpu.memory_space<vmem>>, vector<1000x16xf32>,
    return
  }
  func.func @transform_0(%arg0: i32) -> (i32, i32, i32) {
    %c0_i32 = arith.constant 0 : i32
    %c0_i32_0 = arith.constant 0 : i32
    %c0_i32_1 = arith.constant 0 : i32
    return %c0_i32, %arg0, %c0_i32_0 : i32, i32, i32
  }
  func.func @transform_1(%arg0: i32) -> (i32, i32) {
    %c0_i32 = arith.constant 0 : i32
    %c0_i32_0 = arith.constant 0 : i32
    return %arg0, %c0_i32 : i32, i32
  }
  func.func @transform_2(%arg0: i32) -> (i32, i32, i32) {
    %c0_i32 = arith.constant 0 : i32
    %c0_i32_0 = arith.constant 0 : i32
    %c0_i32_1 = arith.constant 0 : i32
    return %c0_i32, %arg0, %c0_i32_0 : i32, i32, i32
  }
  func.func @transform_3(%arg0: i32) -> (i32, i32) {
    %c0_i32 = arith.constant 0 : i32
    %c0_i32_0 = arith.constant 0 : i32
    %c0_i32_1 = arith.constant 0 : i32
    return %c0_i32, %c0_i32_0 : i32, i32
  }
  func.func @transform_4(%arg0: i32) -> (i32, i32) {
    %c0_i32 = arith.constant 0 : i32
    %c0_i32_0 = arith.constant 0 : i32
    return %arg0, %c0_i32 : i32, i32
  }
}

module attributes {stable_mosaic.version = 14 : i64} {
  func.func @_enc_body(%arg0: i32, %arg1: memref<2x1000x16xf32, #tpu.memory_space<vmem>>, %arg2: memref<1000x16xf32, #tpu.memory_space<vmem>>, %arg3: memref<2x1000x16xf32, #tpu.memory_space<vmem>>, %arg4: memref<1000x16xf32, #tpu.memory_space<vmem>>) attributes {dimension_semantics = [#tpu.dimension_semantics<arbitrary>], iteration_bounds = array<i64: 10>, scalar_prefetch = 0 : i64, scratch_operands = 0 : i64, tpu.core_type = #tpu.core_type<tc>, window_params = [{transform_indices = @transform_0, window_bounds = array<i64: 2, 1000, 16>}, {transform_indices = @transform_1, window_bounds = array<i64: 1000, 16>}, {transform_indices = @transform_2, window_bounds = array<i64: 2, 1000, 16>}, {transform_indices = @transform_3, window_bounds = array<i64: 1000, 16>}]} {
    %get3A = arith.constant 0 : index
    %get3A_0 = arith.constant 0 : index
    %get3A_1 = arith.constant 0 : index
    %get3A_2 = vector.load %arg1[%get3A, %get3A_0, %get3A_1] : memref<2x1000x16xf32, #tpu.memory_space<vmem>>, vector<1x1000x1xf32>
    %get3A_3 = vector.shape_cast %get3A_2 : vector<1x1000x1xf32> to vector<1000xf32>
    %get3A_4 = arith.constant 1 : index
    %get3A_5 = arith.constant 0 : index
    %get3A_6 = arith.constant 0 : index
    %get3A_7 = vector.load %arg1[%get3A_4, %get3A_5, %get3A_6] : memref<2x1000x16xf32, #tpu.memory_space<vmem>>, vector<1x1000x1xf32>
    %get3A_8 = vector.shape_cast %get3A_7 : vector<1x1000x1xf32> to vector<1000xf32>
    %add3A = arith.addf %get3A_3, %get3A_8 : vector<1000xf32>
    %add3A_9 = arith.constant 1.000000e+00 : f32
    %add3A_10 = vector.broadcast %add3A_9 : f32 to vector<1000xf32>
    %add3A_11 = arith.addf %add3A, %add3A_10 : vector<1000xf32>
    %max3A = arith.constant 1.000000e+00 : f32
    %max3A_12 = vector.broadcast %max3A : f32 to vector<1000xf32>
    %max3A_13 = arith.maximumf %add3A_11, %max3A_12 : vector<1000xf32>
    %rsqrt3A = math.rsqrt %max3A_13 : vector<1000xf32>
    %get3A_14 = arith.constant 0 : index
    %get3A_15 = arith.constant 0 : index
    %get3A_16 = vector.load %arg2[%get3A_14, %get3A_15] : memref<1000x16xf32, #tpu.memory_space<vmem>>, vector<1000x16xf32>
    %get3A_17 = arith.constant 0 : index
    %get3A_18 = arith.constant 0 : index
    %get3A_19 = arith.constant 0 : index
    %get3A_20 = vector.load %arg3[%get3A_17, %get3A_18, %get3A_19] : memref<2x1000x16xf32, #tpu.memory_space<vmem>>, vector<1x1000x16xf32>
    %get3A_21 = vector.shape_cast %get3A_20 : vector<1x1000x16xf32> to vector<1000x16xf32>
    %add3A_22 = arith.addf %get3A_16, %get3A_21 : vector<1000x16xf32>
    %get3A_23 = arith.constant 1 : index
    %get3A_24 = arith.constant 0 : index
    %get3A_25 = arith.constant 0 : index
    %get3A_26 = vector.load %arg3[%get3A_23, %get3A_24, %get3A_25] : memref<2x1000x16xf32, #tpu.memory_space<vmem>>, vector<1x1000x16xf32>
    %get3A_27 = vector.shape_cast %get3A_26 : vector<1x1000x16xf32> to vector<1000x16xf32>
    %add3A_28 = arith.addf %add3A_22, %get3A_27 : vector<1000x16xf32>
    %broadcast_in_dim3A = vector.shape_cast %rsqrt3A : vector<1000xf32> to vector<1000x1xf32>
    %mul3A = vector.broadcast %broadcast_in_dim3A : vector<1000x1xf32> to vector<1000x16xf32>
    %mul3A_29 = arith.mulf %add3A_28, %mul3A : vector<1000x16xf32>
    %swap3A = arith.constant 0 : index
    %swap3A_30 = arith.constant 0 : index
    %swap3A_31 = vector.load %arg4[%swap3A, %swap3A_30] : memref<1000x16xf32, #tpu.memory_space<vmem>>, vector<1000x16xf32>
    tpu.vector_store %arg4[%swap3A, %swap3A_30], %mul3A_29 {strides = array<i32>} : memref<1000x16xf32, #tpu.memory_space<vmem>>, vector<1000x16xf32>,
    return
  }
  func.func @transform_0(%arg0: i32) -> (i32, i32, i32) {
    %c0_i32 = arith.constant 0 : i32
    %c0_i32_0 = arith.constant 0 : i32
    %c0_i32_1 = arith.constant 0 : i32
    return %c0_i32, %arg0, %c0_i32_0 : i32, i32, i32
  }
  func.func @transform_1(%arg0: i32) -> (i32, i32) {
    %c0_i32 = arith.constant 0 : i32
    %c0_i32_0 = arith.constant 0 : i32
    return %arg0, %c0_i32 : i32, i32
  }
  func.func @transform_2(%arg0: i32) -> (i32, i32, i32) {
    %c0_i32 = arith.constant 0 : i32
    %c0_i32_0 = arith.constant 0 : i32
    %c0_i32_1 = arith.constant 0 : i32
    return %c0_i32, %arg0, %c0_i32_0 : i32, i32, i32
  }
  func.func @transform_3(%arg0: i32) -> (i32, i32) {
    %c0_i32 = arith.constant 0 : i32
    %c0_i32_0 = arith.constant 0 : i32
    return %arg0, %c0_i32 : i32, i32
  }
}

module attributes {stable_mosaic.version = 14 : i64} {
  func.func @_dec_body(%arg0: i32, %arg1: memref<200x16xf32, #tpu.memory_space<vmem>>, %arg2: memref<10000x16xf32, #tpu.memory_space<vmem>>, %arg3: memref<200x10000xf32, #tpu.memory_space<vmem>>) attributes {dimension_semantics = [#tpu.dimension_semantics<arbitrary>], iteration_bounds = array<i64: 50>, scalar_prefetch = 0 : i64, scratch_operands = 0 : i64, tpu.core_type = #tpu.core_type<tc>, window_params = [{transform_indices = @transform_0, window_bounds = array<i64: 200, 16>}, {pipeline_mode = #tpu.pipeline_mode<synchronous>, transform_indices = @transform_1, window_bounds = array<i64: 10000, 16>}, {transform_indices = @transform_2, window_bounds = array<i64: 200, 10000>}]} {
    %get3A = arith.constant 0 : index
    %get3A_0 = arith.constant 0 : index
    %get3A_1 = vector.load %arg1[%get3A, %get3A_0] : memref<200x16xf32, #tpu.memory_space<vmem>>, vector<200x16xf32>
    %get3A_2 = arith.constant 0 : index
    %get3A_3 = arith.constant 0 : index
    %get3A_4 = vector.load %arg2[%get3A_2, %get3A_3] : memref<10000x16xf32, #tpu.memory_space<vmem>>, vector<10000x16xf32>
    %dot_general3A = arith.constant dense<0.000000e+00> : vector<200x10000xf32>
    %dot_general3A_5 = tpu.matmul %get3A_1, %get3A_4, %dot_general3A {dimension_numbers = #tpu.dot_dimension_numbers<[1], [1], [0], [0], [0, 0, 1, 0], [], []>, transpose_lhs_hint = false} : vector<200x16xf32>, vector<10000x16xf32>, vector<200x10000xf32> -> vector<200x10000xf32>
    %mul3A = arith.constant 5.000000e-01 : f32
    %mul3A_6 = vector.broadcast %mul3A : f32 to vector<200x10000xf32>
    %mul3A_7 = arith.mulf %dot_general3A_5, %mul3A_6 : vector<200x10000xf32>
    %tanh3A = math.tanh %mul3A_7 : vector<200x10000xf32>
    %mul3A_8 = arith.constant 5.000000e-01 : f32
    %mul3A_9 = vector.broadcast %mul3A_8 : f32 to vector<200x10000xf32>
    %mul3A_10 = arith.mulf %mul3A_9, %tanh3A : vector<200x10000xf32>
    %add3A = arith.constant 5.000000e-01 : f32
    %add3A_11 = vector.broadcast %add3A : f32 to vector<200x10000xf32>
    %add3A_12 = arith.addf %mul3A_10, %add3A_11 : vector<200x10000xf32>
    %swap3A = arith.constant 0 : index
    %swap3A_13 = arith.constant 0 : index
    %swap3A_14 = vector.load %arg3[%swap3A, %swap3A_13] : memref<200x10000xf32, #tpu.memory_space<vmem>>, vector<200x10000xf32>
    tpu.vector_store %arg3[%swap3A, %swap3A_13], %add3A_12 {strides = array<i32>} : memref<200x10000xf32, #tpu.memory_space<vmem>>, vector<200x10000xf32>,
    return
  }
  func.func @transform_0(%arg0: i32) -> (i32, i32) {
    %c0_i32 = arith.constant 0 : i32
    %c0_i32_0 = arith.constant 0 : i32
    return %arg0, %c0_i32 : i32, i32
  }
  func.func @transform_1(%arg0: i32) -> (i32, i32) {
    %c0_i32 = arith.constant 0 : i32
    %c0_i32_0 = arith.constant 0 : i32
    %c0_i32_1 = arith.constant 0 : i32
    return %c0_i32, %c0_i32_0 : i32, i32
  }
  func.func @transform_2(%arg0: i32) -> (i32, i32) {
    %c0_i32 = arith.constant 0 : i32
    %c0_i32_0 = arith.constant 0 : i32
    return %arg0, %c0_i32 : i32, i32
  }
}

</mosaic_0001>

<sc_bundles>
// kernel: kernel.12.cloned.1.call-start
scs
__scs_entry_jumppad:
0x0: {  	(pc) =	sbr.rel $0x88, $3  }
0x1: {  	(tag) =	ssettag $0x0;
	lr =	simm.s32 $0x1  }
0x2: {  	[smem:$0x3F9D] =	sst lr;
	_ =	strace $0xD0000000  }
0x3: {  	_ = 	snop  }
0x4: {  	_ = 	snop  }
0x5: {  	_ = 	snop  }
0x6: {  	_ = 	snop  }
0x7: {  	_ = 	snop  }
__scs_overlays_trampoline_lowered:
0x8: {  	[smem:$0x3FAC] =	sst s0  }
0x9: {  	[smem:$0x3FAD] =	sst s1  }
0xa: {  	[smem:$0x3FAE] =	sst s2  }
0xb: {  	[smem:$0x3FAF] =	sst s3  }
0xc: {  	[smem:$0x3FB0] =	sst s4  }
0xd: {  	[smem:$0x3FB1] =	sst s5  }
0xe: {  	[smem:$0x3FB2] =	sst s6  }
0xf: {  	[smem:$0x3FB3] =	sst s7  }
0x10: {  	[smem:$0x3FB4] =	sst s8  }
0x11: {  	[smem:$0x3FB5] =	sst s9;
	s0 =	simm.s32 @!p0 $0x0  }
0x12: {  	s1 =	sld [smem:$0x3F9B];
	s0 =	simm.s32 @p0 $0x1  }
0x13: {  	[smem:$0x3FB6] =	sst s0;
	s0 =	simm.s32 @!p1 $0x0  }
0x14: {  	s2 =	sld [smem:$0x3F9A];
	s0 =	simm.s32 @p1 $0x1  }
0x15: {  	[smem:$0x3FB7] =	sst s0;
	s0 =	simm.s32 @!p2 $0x0  }
0x16: {  	s3 =	sld [smem:$0x3FDB];
	s0 =	simm.s32 @p2 $0x1  }
0x17: {  	s4 =	simm.s32 $0x1BF5;
	[smem:$0x3FB9] =	sst s0  }
0x18: {  	s0 =	sld [smem:$0x3F9C];
	_ =	swait.ge [sflag:s4], $0x0  }
0x19: {  	s7 =	sld [smem:$0x3F9D]  }
0x1a: {  	s8 =	sadd.s32 $0xFFFFE003, lr  }
0x1b: {  	s9 =	sadd.s32 $0xFFFFFEF7, lr;
	s5 =	simm.s32 $0xFFFFFFFF;
	p2 =	slt.u32 s8, $0xFFFFF086  }
0x1c: {  	p1 =	slt.u32 s9, $0xF7A;
	s5 =	simm.s32 @!p2 $0x0  }
0x1d: {  	s5 =	simm.s32 @p1 $0x1;
	p0 =	seq.s32 s7, s2  }
0x1e: {  	s7 =	smul.u32 @!p0 $0xF7A, s2;
	p2 =	seq.s32 @!p0 s5, $0x0  }
0x1f: {  	s9 =	smul.u32 $0xF7A, s1;
	s8 =	simm.s32 @!p0 $0x1BF5;
	p2 =	por !p2, p0  }
0x20: {  	[sflag:s8] =	ssyncset.s32 @!p0 $0xFFFFF086;
	s6 =	sadd.s32 @!p0 s3, s7;
	s7 =	simm.s32 @!p0 $0x108  }
0x21: {  	s3 =	sadd.s32 s3, s9;
	s6 =	sadd.s32 @!p0 $0x88, s6;
	s7 =	simm.s32 @p2 $0x1082  }
0x22: {  	[simem:s7], [sflag:s8] =	dma.local @!p0 [hbm:s6], $0xF7A  }
0x23: {  	s9 =	sor.u32 $0xD0000000, s2;
	s6 =	simm.s32 $0x108;
	_ =	swait.ge @!p0 [sflag:s8], $0x0  }
0x24: {  	s3 =	sadd.s32 $0x88, s3;
	s6 =	simm.s32 @!p1 $0x1082;
	[sflag:s4] =	ssyncset.s32 $0xFFFFF086  }
0x25: {  	[simem:s6], [sflag:s4] =	dma.local [hbm:s3], $0xF7A  }
0x26: {  	[smem:$0x3F9D] =	sst s1;
	(tag) =	ssettag s2;
	_ =	strace s9  }
0x27: {  	s1 =	sld [smem:$0x3FAD]  }
0x28: {  	s2 =	sld [smem:$0x3FAE]  }
0x29: {  	s4 =	sld [smem:$0x3FB0]  }
0x2a: {  	p0 =	seq.s32 s5, $0x0;
	s5 =	sld [smem:$0x3FB1]  }
0x2b: {  	s6 =	sld [smem:$0x3FB2]  }
0x2c: {  	s7 =	sld [smem:$0x3FB3]  }
0x2d: {  	s3 =	simm.s32 $0x108;
	s8 =	sld [smem:$0x3FB4]  }
0x2e: {  	s3 =	simm.s32 @!p0 $0x1082;
	s9 =	sld [smem:$0x3FB5]  }
0x2f: {  	lr =	sadd.s32 s0, s3;
	s0 =	sld [smem:$0x3FAC]  }
0x30: {  	s3 =	sld [smem:$0x3FAF]  }
0x31: {  	[smem:$0x3FB8] =	sst s10  }
0x32: {  	s10 =	sld [smem:$0x3FB6];
	_ =	sdelay $0x3  }
0x33: {  	p0 =	seq.s32 s10, $0x1;
	s10 =	sld [smem:$0x3FB8];
	_ =	sdelay $0x3  }
0x34: {  	[smem:$0x3FB8] =	sst s10  }
0x35: {  	s10 =	sld [smem:$0x3FB7];
	_ =	sdelay $0x3  }
0x36: {  	p1 =	seq.s32 s10, $0x1;
	s10 =	sld [smem:$0x3FB8];
	_ =	sdelay $0x3  }
0x37: {  	[smem:$0x3FB8] =	sst s10  }
0x38: {  	s10 =	sld [smem:$0x3FB9]  }
0x39: {  	_ = 	snop;
	(pc) =	sbr.ind lr, $3  }
0x3a: {  	_ = 	snop  }
0x3b: {  	_ = 	snop  }
0x3c: {  	p2 =	seq.s32 s10, $0x1;
	s10 =	sld [smem:$0x3FB8]  }
0x3d: {  	_ =	shalt  }
0x3e: {  	_ =	shalt  }
0x3f: {  	_ =	shalt  }
0x40: {  	_ =	shalt  }
0x41: {  	_ =	shalt  }
0x42: {  	_ =	shalt  }
0x43: {  	_ =	shalt  }
0x44: {  	_ =	shalt  }
0x45: {  	_ =	shalt  }
0x46: {  	_ =	shalt  }
0x47: {  	_ =	shalt  }
0x48: {  	_ =	shalt  }
0x49: {  	_ =	shalt  }
0x4a: {  	_ =	shalt  }
0x4b: {  	_ =	shalt  }
0x4c: {  	_ =	shalt  }
0x4d: {  	_ =	shalt  }
0x4e: {  	_ =	shalt  }
0x4f: {  	_ =	shalt  }
0x50: {  	_ =	shalt  }
0x51: {  	_ =	shalt  }
0x52: {  	_ =	shalt  }
0x53: {  	_ =	shalt  }
0x54: {  	_ =	shalt  }
0x55: {  	_ =	shalt  }
0x56: {  	_ =	shalt  }
0x57: {  	_ =	shalt  }
0x58: {  	_ =	shalt  }
0x59: {  	_ =	shalt  }
0x5a: {  	_ =	shalt  }
0x5b: {  	_ =	shalt  }
0x5c: {  	_ =	shalt  }
0x5d: {  	_ =	shalt  }
0x5e: {  	_ =	shalt  }
0x5f: {  	_ =	shalt  }
0x60: {  	_ =	shalt  }
0x61: {  	_ =	shalt  }
0x62: {  	_ =	shalt  }
0x63: {  	_ =	shalt  }
0x64: {  	_ =	shalt  }
0x65: {  	_ =	shalt  }
0x66: {  	_ =	shalt  }
0x67: {  	_ =	shalt  }
0x68: {  	_ =	shalt  }
0x69: {  	_ =	shalt  }
0x6a: {  	_ =	shalt  }
0x6b: {  	_ =	shalt  }
0x6c: {  	_ =	shalt  }
0x6d: {  	_ =	shalt  }
0x6e: {  	_ =	shalt  }
0x6f: {  	_ =	shalt  }
0x70: {  	_ =	shalt  }
0x71: {  	_ =	shalt  }
0x72: {  	_ =	shalt  }
0x73: {  	_ =	shalt  }
0x74: {  	_ =	shalt  }
0x75: {  	_ =	shalt  }
0x76: {  	_ =	shalt  }
0x77: {  	_ =	shalt  }
0x78: {  	_ =	shalt  }
0x79: {  	_ =	shalt  }
0x7a: {  	_ =	shalt  }
0x7b: {  	_ =	shalt  }
0x7c: {  	_ =	shalt  }
0x7d: {  	_ =	shalt  }
0x7e: {  	_ =	shalt  }
0x7f: {  	_ =	shalt  }
0x80: {  	_ =	shalt  }
0x81: {  	_ =	shalt  }
0x82: {  	_ =	shalt  }
0x83: {  	_ =	shalt  }
0x84: {  	_ =	shalt  }
0x85: {  	_ =	shalt  }
0x86: {  	_ =	shalt  }
0x87: {  	_ =	shalt  }
.Lfunc_end0:
.L_simem_size_0:
called_computation.1_lowered:
.L_overlay_start_0:
0x88: {  	s2 =	sld [smem:$0x3FD9]  }
0x89: {  	s3 =	sld [smem:$0x3FFE];
	_ =	sdelay $0x1  }
0x8a: {  	s1 =	srdreg.scid  }
0x8b: {  	s0 =	sand.u32 $0x1, s1  }
0x8c: {  	s17 =	sshll.u32 s0, $0xA;
	s2 =	sadd.s32 s3, s2  }
0x8d: {  	s2 =	sadd.s32 s2, s17  }
0x8e: {  	[smem:$0x3FC4] =	sst s2  }
0x8f: {  	_ = 	snop  }
0x90: {  	s2 =	sld [smem:$0x3FD0];
	(tm) =	ssettm $0x1  }
0x91: {  	s18 =	sld [smem:$0x3FFB];
	_ =	sdelay $0x3  }
0x92: {  	_ =	strace s18  }
0x93: {  	s3 =	sld [smem:$0x3FFC];
	_ =	sdelay $0x3  }
0x94: {  	_ =	strace s3  }
0x95: {  	s3 =	sld [smem:$0x3FFD];
	_ =	sdelay $0x3  }
0x96: {  	_ =	strace s3  }
0x97: {  	_ =	strace $0x8FFFFFFF  }
0x98: {  	s19 =	sld [smem:$0x3FDB];
	_ =	sdelay $0x1  }
0x99: {  	s4 =	simm.s32 $_scs_section_size  }
0x9a: {  	s5 =	simm.s32 $_size__tile_overlayer_lowered;
	s6 =	simm.s32 $_tile_overlayer_lowered  }
0x9b: {  	s22 =	simm.s32 $0x1BFF;
	s21 =	sshll.u32 s6, $0x1;
	s3 =	sadd.s32 s4, s19  }
0x9c: {  	s7 =	simm.s32 $0x0;
	s20 =	sshll.u32 s5, $0x1;
	s5 =	sadd.s32 s21, s3  }
0x9d: {  	[timem:s7], [sflag:s22] =	dma.local [hbm:s5], s20  }
0x9e: {  	_ =	swait.ge [sflag:s22], s20  }
0x9f: {  	s4 =	ssub.s32 $0x0, s20;
	[sflag:s22] =	ssyncset.done $0x0  }
0xa0: {  	[sflag:s22] =	ssyncadd.s32 s4;
	_ =	sdelay $0x1  }
0xa1: {  	s23 =	simm.s32 $0x1B8B  }
0xa2: {  	_ =	swait.ge [sflag:s23], $0x1  }
0xa3: {  	[sflag:s23] =	ssyncset.done $0x0  }
0xa4: {  	s25 =	simm.s32 $0x1B8E;
	s24 =	sld [smem:$0x3FFE];
	[sflag:s23] =	ssyncadd.s32 $0xFFFFFFFF  }
0xa5: {  	s26 =	simm.s32 $execute0_lowered;
	[smem:$0x3FD2] =	sst s25  }
0xa6: {  	s5 =	sshll.u32 s26, $0x1;
	_ =	strace $0x80000049;
	[dreg:$0x1] =	wrdreg $0xFFFFFFFF  }
0xa7: {  	s28 =	simm.s32 $_size_execute0_lowered;
	s3 =	sadd.s32 s3, s5;
	[dreg:$0x0] =	wrdreg $0x0  }
0xa8: {  	s5 =	sshll.u32 s28, $0x1;
	[dreg:$0x2] =	wrdreg s3  }
0xa9: {  	[dreg:$0x3] =	wrdreg s5  }
0xaa: {  	[dreg:$0x4] =	wrdreg $0xC0  }
0xab: {  	_ =	task [dreg:s7], $0x5FFFF  }
0xac: {  	[dreg:$0x1] =	wrdreg $0xFFFFFFFF  }
0xad: {  	[dreg:$0x0] =	wrdreg $0x60  }
0xae: {  	[dreg:$0x2] =	wrdreg s24  }
0xaf: {  	[dreg:$0x3] =	wrdreg s2  }
0xb0: {  	[dreg:$0x4] =	wrdreg $0x66800  }
0xb1: {  	[dreg:$0x5] =	wrdreg $0x9  }
0xb2: {  	_ =	task.clear_ibuf [dreg:s7], $0x6FFFF;
	_ =	strace $0x90000049  }
0xb3: {  	s29 =	simm.s32 $0x9;
	_ =	strace $0x8000004B  }
0xb4: {  	_ =	swait.ge [sflag:s29], $0x1  }
0xb5: {  	[sflag:s29] =	ssyncadd.s32 $0xFFFFFFFF  }
0xb6: {  	_ =	strace $0x9000004B  }
0xb7: {  	_ =	sfence  }
0xb8: {  	s30 =	sld [smem:$0x0];
	_ =	sdelay $0x2  }
0xb9: {  	s31 =	sshll.u32 s1, $0xD;
	s1 =	sshrl.u32 s1, $0x2  }
0xba: {  	s3 =	sand.u32 $0x4000, s31;
	s1 =	sadd.s32 s1, s30  }
0xbb: {  	s0 =	sor.u32 s3, s0;
	s1 =	sshll.u32 s1, $0x11  }
0xbc: {  	s0 =	sor.u32 s1, s0  }
0xbd: {  	s0 =	sadd.s32 $0x8F2B, s0  }
0xbe: {  	[sflag:s0] =	ssyncadd.remote.s32 $0x1  }
0xbf: {  	_ =	sfence.sel $0xFFFF  }
0xc0: {  	[dreg:$0x0] =	wrdreg $0xFFFFFFFF;
	(pc) =	sbr.abs _section_cstart, $3  }
0xc1: {  	[dreg:$0x1] =	wrdreg $0xFFFFFFFF  }
0xc2: {  	_ =	task.clear_ibuf [dreg:s7], $0x2FFFF;
	_ =	strace $0x9FFFFFFF  }
0xc3: {  	(tm) =	ssettm $0x7FFFFFFF  }
tec
execute0_lowered:
.L_overlay_start_1:
0x0: {  	(tag) =	ssettag $0x1  }
0x1: {  	s5 =	rddreg [dreg:$0x0]  }
0x2: {  	s6 =	rddreg [dreg:$0x1]  }
0x3: {  	s2 =	rddreg [dreg:$0x2];
	s3 =	srdreg.scid  }
0x4: {  	s0 =	rddreg [dreg:$0x3];
	s1 =	stileid.u32  }
0x5: {  	s13 =	simm.s32 $0x1400;
	s14 =	simm.s32 $0x7D;
	s15 =	simm.s32 $0x2800  }
0x6: {  	s16 =	simm.s32 $0x80;
	s17 =	simm.s32 $0x37A0;
	s18 =	simm.s32 $0x100  }
0x7: {  	s19 =	simm.s32 $0x4740;
	s20 =	simm.s32 $0x1;
	s21 =	simm.s32 $0x180  }
0x8: {  	s22 =	simm.s32 $0x56E0;
	s23 =	simm.s32 $0x2680;
	s24 =	simm.s32 $0x2700  }
0x9: {  	s25 =	simm.s32 $0x2780;
	s26 =	simm.s32 $0x0;
	s7 =	sand.u32 $0x1, s3  }
0xa: {  	s3 =	simm.s32 $0x0;
	s8 =	smul.u32 $0x5000, s1;
	s31 =	sshll.u32 s1, $0x6  }
0xb: {  	s4 =	sshll.u32 s7, $0x4;
	[smem:$0x7FF] =	sst s3;
	s9 =	smul.u32 $0x50000, s7  }
0xc: {  	s7 =	ssub.s32 $0x2, s7;
	s4 =	sor.u32 s1, s4;
	_ =	strace $0x8000004A  }
0xd: {  	s11 =	sshrl.u32 s7, $0x1;
	s30 =	sshrl.u32 s8, $0x3;
	s10 =	smul.u32 $0x280, s4  }
0xe: {  	s12 =	sadd.s32 s8, s2;
	s4 =	sadd.s32 $0x10200, s5;
	s9 =	sadd.s32 s8, s9  }
0xf: {  	s11 =	ssub.s32 s7, s11;
	s9 =	sshrl.u32 s9, $0x3;
	s10 =	sadd.s32 s10, s5  }
0x10: {  	s9 =	sadd.s32 s9, s5;
	s5 =	sadd.s32 s6, s30;
	s6 =	sor.u32 $0x1C02, s31  }
0x11: {  	s7 =	sadd.s32 $0xB200, s10;
	s8 =	sadd.s32 $0x1000, s10;
	s9 =	sadd.s32 $0x1A000, s9  }
0x12: {  	s10 =	smax.u32 s11, $0x1;
	s11 =	sshrl.u32 s12, $0x3;
	s12 =	simm.s32 $0x2  }
.LBB2_1:
0x13: {  	[spmem:s11], [sflag:s6] =	dma.local [hbm:s5], $0xA00  }
0x14: {  	_ =	swait.ge [sflag:s12], $0xA00  }
0x15: {  	[sflag:s12] =	ssyncset.done $0x0  }
0x16: {  	[sflag:s12] =	ssyncadd.s32 $0xFFFFF600  }
0x17: {  	[tilespmem:s3], [sflag:$0x2] =	stream.linear.gather [hbm4b:s7+s3], $0x1400, $0x38;
	[tilespmem:$0xB680] =	vst v63  }
0x18: {  	_ =	swait.ge [sflag:s12], $0x1400  }
0x19: {  	[sflag:s12] =	ssyncset.done $0x0  }
0x1a: {  	[sflag:s12] =	ssyncadd.s32 $0xFFFFEC00  }
0x1b: {  	[tilespmem:s13], [sflag:$0x2] =	stream.linear.gather [hbm4b:s8+s3], $0x1400, $0x38;
	[tilespmem:$0xB680] =	vst v63  }
0x1c: {  	_ =	swait.ge [sflag:s12], $0x1400  }
0x1d: {  	[sflag:s12] =	ssyncset.done $0x0  }
0x1e: {  	[sflag:s12] =	ssyncadd.s32 $0xFFFFEC00  }
0x1f: {  	[bflag:$0x0] =	sbarrier.arrive $0xFFFF  }
0x20: {  	[tilespmem:s15], [sflag:$0x1] =	stream.indirect.gather [hbm4b:s4+s14], $0x20, s3, s14, $0xb8;
	[tilespmem:$0xB680] =	vst v63  }
0x21: {  	_ = 	snop  }
0x22: {  	[tilespmem:s17], [sflag:$0x1] =	stream.indirect.gather [hbm4b:s4+s14], $0x20, s16, s14, $0xb8;
	[tilespmem:$0xB680] =	vst v63  }
0x23: {  	_ = 	snop  }
0x24: {  	[tilespmem:s19], [sflag:$0x1] =	stream.indirect.gather [hbm4b:s4+s14], $0x20, s18, s14, $0xb8;
	[tilespmem:$0xB680] =	vst v63  }
0x25: {  	_ =	swait.ge [sflag:s20], $0xFA0  }
0x26: {  	[sflag:s20] =	ssyncset.done $0x0  }
0x27: {  	[sflag:s20] =	ssyncadd.s32 $0xFFFFF060  }
0x28: {  	[tilespmem:s22], [sflag:$0x1] =	stream.indirect.gather [hbm4b:s4+s14], $0x20, s21, s14, $0xb8;
	[tilespmem:$0xB680] =	vst v63  }
0x29: {  	_ = 	snop  }
0x2a: {  	[spmem:s2] =	stream.indirect.scatter.add.f32 [tilespmem:s15], [sflag:$0x2], $0x20, s13, s14, $0xb8;
	[tilespmem:$0xB680] =	vst v63  }
0x2b: {  	_ =	swait.ge [sflag:s12], $0xFA0  }
0x2c: {  	[sflag:s12] =	ssyncset.done $0x0  }
0x2d: {  	[sflag:s12] =	ssyncadd.s32 $0xFFFFF060  }
0x2e: {  	_ =	swait.ge [sflag:s20], $0xFA0  }
0x2f: {  	[sflag:s20] =	ssyncset.done $0x0  }
0x30: {  	s28 =	simm.s32 $0x200;
	[sflag:s20] =	ssyncadd.s32 $0xFFFFF060  }
0x31: {  	[tilespmem:s15], [sflag:$0x1] =	stream.indirect.gather [hbm4b:s4+s14], $0x20, s28, s14, $0xb8;
	[tilespmem:$0xB680] =	vst v63  }
0x32: {  	s28 =	simm.s32 $0x1480  }
0x33: {  	[spmem:s2] =	stream.indirect.scatter.add.f32 [tilespmem:s17], [sflag:$0x2], $0x20, s28, s14, $0xb8;
	[tilespmem:$0xB680] =	vst v63  }
0x34: {  	_ =	swait.ge [sflag:s12], $0xFA0  }
0x35: {  	[sflag:s12] =	ssyncset.done $0x0  }
0x36: {  	[sflag:s12] =	ssyncadd.s32 $0xFFFFF060  }
0x37: {  	_ =	swait.ge [sflag:s20], $0xFA0  }
0x38: {  	[sflag:s20] =	ssyncset.done $0x0  }
0x39: {  	s28 =	simm.s32 $0x280;
	[sflag:s20] =	ssyncadd.s32 $0xFFFFF060  }
0x3a: {  	[tilespmem:s17], [sflag:$0x1] =	stream.indirect.gather [hbm4b:s4+s14], $0x20, s28, s14, $0xb8;
	[tilespmem:$0xB680] =	vst v63  }
0x3b: {  	s28 =	simm.s32 $0x1500  }
0x3c: {  	[spmem:s2] =	stream.indirect.scatter.add.f32 [tilespmem:s19], [sflag:$0x2], $0x20, s28, s14, $0xb8;
	[tilespmem:$0xB680] =	vst v63  }
0x3d: {  	_ =	swait.ge [sflag:s12], $0xFA0  }
0x3e: {  	[sflag:s12] =	ssyncset.done $0x0  }
0x3f: {  	[sflag:s12] =	ssyncadd.s32 $0xFFFFF060  }
0x40: {  	_ =	swait.ge [sflag:s20], $0xFA0  }
0x41: {  	[sflag:s20] =	ssyncset.done $0x0  }
0x42: {  	s28 =	simm.s32 $0x300;
	[sflag:s20] =	ssyncadd.s32 $0xFFFFF060  }
0x43: {  	[tilespmem:s19], [sflag:$0x1] =	stream.indirect.gather [hbm4b:s4+s14], $0x20, s28, s14, $0xb8;
	[tilespmem:$0xB680] =	vst v63  }
0x44: {  	s28 =	simm.s32 $0x1580  }
0x45: {  	[spmem:s2] =	stream.indirect.scatter.add.f32 [tilespmem:s22], [sflag:$0x2], $0x20, s28, s14, $0xb8;
	[tilespmem:$0xB680] =	vst v63  }
0x46: {  	_ =	swait.ge [sflag:s12], $0xFA0  }
0x47: {  	[sflag:s12] =	ssyncset.done $0x0  }
0x48: {  	[sflag:s12] =	ssyncadd.s32 $0xFFFFF060  }
0x49: {  	_ =	swait.ge [sflag:s20], $0xFA0  }
0x4a: {  	[sflag:s20] =	ssyncset.done $0x0  }
0x4b: {  	s28 =	simm.s32 $0x380;
	[sflag:s20] =	ssyncadd.s32 $0xFFFFF060  }
0x4c: {  	[tilespmem:s22], [sflag:$0x1] =	stream.indirect.gather [hbm4b:s4+s14], $0x20, s28, s14, $0xb8;
	[tilespmem:$0xB680] =	vst v63  }
0x4d: {  	s28 =	simm.s32 $0x1600  }
0x4e: {  	[spmem:s2] =	stream.indirect.scatter.add.f32 [tilespmem:s15], [sflag:$0x2], $0x20, s28, s14, $0xb8;
	[tilespmem:$0xB680] =	vst v63  }
0x4f: {  	_ =	swait.ge [sflag:s12], $0xFA0  }
0x50: {  	s28 =	simm.s32 $0x800;
	[sflag:s12] =	ssyncset.done $0x0  }
.LBB2_2:
0x51: {  	p0 =	sne.s32 s28, $0x4000  }
0x52: {  	[sflag:s12] =	ssyncadd.s32 $0xFFFFF060;
	s29 =	smov.u32 s28;
	s28 =	sadd.s32 $0x800, s28  }
0x53: {  	_ = 	snop  }
0x54: {  	_ =	swait.ge [sflag:s20], $0xFA0  }
0x55: {  	s29 =	sshra.s32 s29, $0x2;
	[sflag:s20] =	ssyncset.done $0x0  }
0x56: {  	s30 =	sadd.s32 $0x200, s29;
	[sflag:s20] =	ssyncadd.s32 $0xFFFFF060  }
0x57: {  	[tilespmem:s15], [sflag:$0x1] =	stream.indirect.gather [hbm4b:s4+s14], $0x20, s30, s14, $0xb8;
	[tilespmem:$0xB680] =	vst v63  }
0x58: {  	s30 =	sadd.s32 $0x1480, s29  }
0x59: {  	[spmem:s2] =	stream.indirect.scatter.add.f32 [tilespmem:s17], [sflag:$0x2], $0x20, s30, s14, $0xb8;
	[tilespmem:$0xB680] =	vst v63  }
0x5a: {  	_ =	swait.ge [sflag:s12], $0xFA0  }
0x5b: {  	[sflag:s12] =	ssyncset.done $0x0  }
0x5c: {  	[sflag:s12] =	ssyncadd.s32 $0xFFFFF060  }
0x5d: {  	_ =	swait.ge [sflag:s20], $0xFA0  }
0x5e: {  	[sflag:s20] =	ssyncset.done $0x0  }
0x5f: {  	s30 =	sadd.s32 $0x280, s29;
	[sflag:s20] =	ssyncadd.s32 $0xFFFFF060  }
0x60: {  	[tilespmem:s17], [sflag:$0x1] =	stream.indirect.gather [hbm4b:s4+s14], $0x20, s30, s14, $0xb8;
	[tilespmem:$0xB680] =	vst v63  }
0x61: {  	s30 =	sadd.s32 $0x1500, s29  }
0x62: {  	[spmem:s2] =	stream.indirect.scatter.add.f32 [tilespmem:s19], [sflag:$0x2], $0x20, s30, s14, $0xb8;
	[tilespmem:$0xB680] =	vst v63  }
0x63: {  	_ =	swait.ge [sflag:s12], $0xFA0  }
0x64: {  	[sflag:s12] =	ssyncset.done $0x0  }
0x65: {  	[sflag:s12] =	ssyncadd.s32 $0xFFFFF060  }
0x66: {  	_ =	swait.ge [sflag:s20], $0xFA0  }
0x67: {  	[sflag:s20] =	ssyncset.done $0x0  }
0x68: {  	s30 =	sadd.s32 $0x300, s29;
	[sflag:s20] =	ssyncadd.s32 $0xFFFFF060  }
0x69: {  	[tilespmem:s19], [sflag:$0x1] =	stream.indirect.gather [hbm4b:s4+s14], $0x20, s30, s14, $0xb8;
	[tilespmem:$0xB680] =	vst v63  }
0x6a: {  	s30 =	sadd.s32 $0x1580, s29  }
0x6b: {  	[spmem:s2] =	stream.indirect.scatter.add.f32 [tilespmem:s22], [sflag:$0x2], $0x20, s30, s14, $0xb8;
	[tilespmem:$0xB680] =	vst v63  }
0x6c: {  	_ =	swait.ge [sflag:s12], $0xFA0  }
0x6d: {  	[sflag:s12] =	ssyncset.done $0x0  }
0x6e: {  	[sflag:s12] =	ssyncadd.s32 $0xFFFFF060  }
0x6f: {  	_ =	swait.ge [sflag:s20], $0xFA0  }
0x70: {  	[sflag:s20] =	ssyncset.done $0x0  }
0x71: {  	s30 =	sadd.s32 $0x380, s29;
	[sflag:s20] =	ssyncadd.s32 $0xFFFFF060  }
0x72: {  	[tilespmem:s22], [sflag:$0x1] =	stream.indirect.gather [hbm4b:s4+s14], $0x20, s30, s14, $0xb8;
	[tilespmem:$0xB680] =	vst v63  }
.Ltmp0:
0x73: {  	_ = 	snop;
	(pc) =	sbr.rel @p0 .LBB2_2-.Ltmp0, $4  }
0x74: {  	s29 =	sadd.s32 $0x1600, s29  }
0x75: {  	[spmem:s2] =	stream.indirect.scatter.add.f32 [tilespmem:s15], [sflag:$0x2], $0x20, s29, s14, $0xb8;
	[tilespmem:$0xB680] =	vst v63  }
0x76: {  	_ =	swait.ge [sflag:s12], $0xFA0  }
0x77: {  	[sflag:s12] =	ssyncset.done $0x0  }
0x78: {  	[sflag:s12] =	ssyncadd.s32 $0xFFFFF060  }
0x79: {  	_ =	swait.ge [sflag:s20], $0xFA0  }
0x7a: {  	[sflag:s20] =	ssyncset.done $0x0  }
0x7b: {  	[sflag:s20] =	ssyncadd.s32 $0xFFFFF060  }
0x7c: {  	[spmem:s2] =	stream.indirect.scatter.add.f32 [tilespmem:s17], [sflag:$0x2], $0x20, s23, s14, $0xb8;
	[tilespmem:$0xB680] =	vst v63  }
0x7d: {  	_ =	swait.ge [sflag:s12], $0xFA0  }
0x7e: {  	[sflag:s12] =	ssyncset.done $0x0  }
0x7f: {  	[sflag:s12] =	ssyncadd.s32 $0xFFFFF060  }
0x80: {  	_ =	swait.ge [sflag:s20], $0xFA0  }
0x81: {  	[sflag:s20] =	ssyncset.done $0x0  }
0x82: {  	[sflag:s20] =	ssyncadd.s32 $0xFFFFF060  }
0x83: {  	[spmem:s2] =	stream.indirect.scatter.add.f32 [tilespmem:s19], [sflag:$0x2], $0x20, s24, s14, $0xb8;
	[tilespmem:$0xB680] =	vst v63  }
0x84: {  	_ =	swait.ge [sflag:s12], $0xFA0  }
0x85: {  	[sflag:s12] =	ssyncset.done $0x0  }
0x86: {  	[sflag:s12] =	ssyncadd.s32 $0xFFFFF060  }
0x87: {  	_ =	swait.ge [sflag:s20], $0xFA0  }
0x88: {  	[sflag:s20] =	ssyncset.done $0x0  }
0x89: {  	[sflag:s20] =	ssyncadd.s32 $0xFFFFF060  }
0x8a: {  	[spmem:s2] =	stream.indirect.scatter.add.f32 [tilespmem:s22], [sflag:$0x2], $0x20, s25, s14, $0xb8;
	[tilespmem:$0xB680] =	vst v63  }
0x8b: {  	_ =	swait.ge [sflag:s12], $0xFA0  }
0x8c: {  	s26 =	sadd.s32 $0x1, s26;
	[sflag:s12] =	ssyncset.done $0x0  }
0x8d: {  	p0 =	sne.s32 s26, s10;
	[sflag:s12] =	ssyncadd.s32 $0xFFFFF060  }
.Ltmp1:
0x8e: {  	[bflag:$0x0] =	sbarrier.arrive $0xFFFF;
	(pc) =	sbr.rel @p0 .LBB2_1-.Ltmp1, $4  }
0x8f: {  	[hbm:s9], [sflag:s6] =	dma.local [spmem:s11], $0xA00  }
0x90: {  	_ =	swait.ge [sflag:s12], $0xA00  }
0x91: {  	[sflag:s12] =	ssyncset.done $0x0  }
0x92: {  	[sflag:s12] =	ssyncadd.s32 $0xFFFFF600  }
0x93: {  	_ =	sfence.sel $0x180000  }
0x94: {  	[bflag:$0x0] =	sbarrier.arrive $0xFFFF  }
0x95: {  	p0 =	sne.s32 s1, $0x0;
	_ =	strace $0x9000004A  }
0x96: {  	s0 =	sadd.s32 @!p0 $0x100000, s0;
	[bflag:$0x2] =	sbarrier.arrive $0xFFFF  }
0x97: {  	[sflag:s0] =	ssyncadd.tile.s32 @!p0 $0x1;
	_ =	shalt  }
.Lfunc_end2:
_tile_overlayer_lowered:
.L_overlay_start_2:
0x98: {  	(tag) =	ssettag $0x2  }
0x99: {  	s0 =	rddreg [dreg:$0x0];
	s2 =	stileid.u32  }
0x9a: {  	s1 =	rddreg [dreg:$0x1];
	p0 =	sne.s32 s2, $0x0  }
0x9b: {  	s3 =	rddreg [dreg:$0x2];
	[bflag:$0x3] =	sbarrier.arrive $0xFFFF;
	s2 =	simm.s32 @!p0 $0x1C02  }
0x9c: {  	[timem:s3], [sflag:s2] =	dma.local @!p0 [hbm:s0], s1  }
0x9d: {  	s0 =	simm.s32 @!p0 $0x2  }
0x9e: {  	_ =	swait.ge @!p0 [sflag:s0], s1  }
0x9f: {  	s1 =	ssub.s32 @!p0 $0x0, s1;
	[sflag:s0] =	ssyncset.done @!p0 $0x0  }
0xa0: {  	[sflag:s0] =	ssyncadd.s32 @!p0 s1  }
0xa1: {  	[bflag:$0x3] =	sbarrier.arrive $0xFFFF  }
0xa2: {  	_ =	shalt  }

// kernel: kernel.15.cloned.1.call-start
scs
__scs_entry_jumppad:
0x0: {  	(pc) =	sbr.rel $0x88, $3  }
0x1: {  	(tag) =	ssettag $0x0;
	lr =	simm.s32 $0x1  }
0x2: {  	[smem:$0x3F9D] =	sst lr;
	_ =	strace $0xD0000000  }
0x3: {  	_ = 	snop  }
0x4: {  	_ = 	snop  }
0x5: {  	_ = 	snop  }
0x6: {  	_ = 	snop  }
0x7: {  	_ = 	snop  }
__scs_overlays_trampoline_lowered:
0x8: {  	[smem:$0x3FAC] =	sst s0  }
0x9: {  	[smem:$0x3FAD] =	sst s1  }
0xa: {  	[smem:$0x3FAE] =	sst s2  }
0xb: {  	[smem:$0x3FAF] =	sst s3  }
0xc: {  	[smem:$0x3FB0] =	sst s4  }
0xd: {  	[smem:$0x3FB1] =	sst s5  }
0xe: {  	[smem:$0x3FB2] =	sst s6  }
0xf: {  	[smem:$0x3FB3] =	sst s7  }
0x10: {  	[smem:$0x3FB4] =	sst s8  }
0x11: {  	[smem:$0x3FB5] =	sst s9;
	s0 =	simm.s32 @!p0 $0x0  }
0x12: {  	s1 =	sld [smem:$0x3F9B];
	s0 =	simm.s32 @p0 $0x1  }
0x13: {  	[smem:$0x3FB6] =	sst s0;
	s0 =	simm.s32 @!p1 $0x0  }
0x14: {  	s2 =	sld [smem:$0x3F9A];
	s0 =	simm.s32 @p1 $0x1  }
0x15: {  	[smem:$0x3FB7] =	sst s0;
	s0 =	simm.s32 @!p2 $0x0  }
0x16: {  	s3 =	sld [smem:$0x3FDB];
	s0 =	simm.s32 @p2 $0x1  }
0x17: {  	s4 =	simm.s32 $0x1BF5;
	[smem:$0x3FB9] =	sst s0  }
0x18: {  	s0 =	sld [smem:$0x3F9C];
	_ =	swait.ge [sflag:s4], $0x0  }
0x19: {  	s7 =	sld [smem:$0x3F9D]  }
0x1a: {  	s8 =	sadd.s32 $0xFFFFE003, lr  }
0x1b: {  	s9 =	sadd.s32 $0xFFFFFEF7, lr;
	s5 =	simm.s32 $0xFFFFFFFF;
	p2 =	slt.u32 s8, $0xFFFFF086  }
0x1c: {  	p1 =	slt.u32 s9, $0xF7A;
	s5 =	simm.s32 @!p2 $0x0  }
0x1d: {  	s5 =	simm.s32 @p1 $0x1;
	p0 =	seq.s32 s7, s2  }
0x1e: {  	s7 =	smul.u32 @!p0 $0xF7A, s2;
	p2 =	seq.s32 @!p0 s5, $0x0  }
0x1f: {  	s9 =	smul.u32 $0xF7A, s1;
	s8 =	simm.s32 @!p0 $0x1BF5;
	p2 =	por !p2, p0  }
0x20: {  	[sflag:s8] =	ssyncset.s32 @!p0 $0xFFFFF086;
	s6 =	sadd.s32 @!p0 s3, s7;
	s7 =	simm.s32 @!p0 $0x108  }
0x21: {  	s3 =	sadd.s32 s3, s9;
	s6 =	sadd.s32 @!p0 $0x88, s6;
	s7 =	simm.s32 @p2 $0x1082  }
0x22: {  	[simem:s7], [sflag:s8] =	dma.local @!p0 [hbm:s6], $0xF7A  }
0x23: {  	s9 =	sor.u32 $0xD0000000, s2;
	s6 =	simm.s32 $0x108;
	_ =	swait.ge @!p0 [sflag:s8], $0x0  }
0x24: {  	s3 =	sadd.s32 $0x88, s3;
	s6 =	simm.s32 @!p1 $0x1082;
	[sflag:s4] =	ssyncset.s32 $0xFFFFF086  }
0x25: {  	[simem:s6], [sflag:s4] =	dma.local [hbm:s3], $0xF7A  }
0x26: {  	[smem:$0x3F9D] =	sst s1;
	(tag) =	ssettag s2;
	_ =	strace s9  }
0x27: {  	s1 =	sld [smem:$0x3FAD]  }
0x28: {  	s2 =	sld [smem:$0x3FAE]  }
0x29: {  	s4 =	sld [smem:$0x3FB0]  }
0x2a: {  	p0 =	seq.s32 s5, $0x0;
	s5 =	sld [smem:$0x3FB1]  }
0x2b: {  	s6 =	sld [smem:$0x3FB2]  }
0x2c: {  	s7 =	sld [smem:$0x3FB3]  }
0x2d: {  	s3 =	simm.s32 $0x108;
	s8 =	sld [smem:$0x3FB4]  }
0x2e: {  	s3 =	simm.s32 @!p0 $0x1082;
	s9 =	sld [smem:$0x3FB5]  }
0x2f: {  	lr =	sadd.s32 s0, s3;
	s0 =	sld [smem:$0x3FAC]  }
0x30: {  	s3 =	sld [smem:$0x3FAF]  }
0x31: {  	[smem:$0x3FB8] =	sst s10  }
0x32: {  	s10 =	sld [smem:$0x3FB6];
	_ =	sdelay $0x3  }
0x33: {  	p0 =	seq.s32 s10, $0x1;
	s10 =	sld [smem:$0x3FB8];
	_ =	sdelay $0x3  }
0x34: {  	[smem:$0x3FB8] =	sst s10  }
0x35: {  	s10 =	sld [smem:$0x3FB7];
	_ =	sdelay $0x3  }
0x36: {  	p1 =	seq.s32 s10, $0x1;
	s10 =	sld [smem:$0x3FB8];
	_ =	sdelay $0x3  }
0x37: {  	[smem:$0x3FB8] =	sst s10  }
0x38: {  	s10 =	sld [smem:$0x3FB9]  }
0x39: {  	_ = 	snop;
	(pc) =	sbr.ind lr, $3  }
0x3a: {  	_ = 	snop  }
0x3b: {  	_ = 	snop  }
0x3c: {  	p2 =	seq.s32 s10, $0x1;
	s10 =	sld [smem:$0x3FB8]  }
0x3d: {  	_ =	shalt  }
0x3e: {  	_ =	shalt  }
0x3f: {  	_ =	shalt  }
0x40: {  	_ =	shalt  }
0x41: {  	_ =	shalt  }
0x42: {  	_ =	shalt  }
0x43: {  	_ =	shalt  }
0x44: {  	_ =	shalt  }
0x45: {  	_ =	shalt  }
0x46: {  	_ =	shalt  }
0x47: {  	_ =	shalt  }
0x48: {  	_ =	shalt  }
0x49: {  	_ =	shalt  }
0x4a: {  	_ =	shalt  }
0x4b: {  	_ =	shalt  }
0x4c: {  	_ =	shalt  }
0x4d: {  	_ =	shalt  }
0x4e: {  	_ =	shalt  }
0x4f: {  	_ =	shalt  }
0x50: {  	_ =	shalt  }
0x51: {  	_ =	shalt  }
0x52: {  	_ =	shalt  }
0x53: {  	_ =	shalt  }
0x54: {  	_ =	shalt  }
0x55: {  	_ =	shalt  }
0x56: {  	_ =	shalt  }
0x57: {  	_ =	shalt  }
0x58: {  	_ =	shalt  }
0x59: {  	_ =	shalt  }
0x5a: {  	_ =	shalt  }
0x5b: {  	_ =	shalt  }
0x5c: {  	_ =	shalt  }
0x5d: {  	_ =	shalt  }
0x5e: {  	_ =	shalt  }
0x5f: {  	_ =	shalt  }
0x60: {  	_ =	shalt  }
0x61: {  	_ =	shalt  }
0x62: {  	_ =	shalt  }
0x63: {  	_ =	shalt  }
0x64: {  	_ =	shalt  }
0x65: {  	_ =	shalt  }
0x66: {  	_ =	shalt  }
0x67: {  	_ =	shalt  }
0x68: {  	_ =	shalt  }
0x69: {  	_ =	shalt  }
0x6a: {  	_ =	shalt  }
0x6b: {  	_ =	shalt  }
0x6c: {  	_ =	shalt  }
0x6d: {  	_ =	shalt  }
0x6e: {  	_ =	shalt  }
0x6f: {  	_ =	shalt  }
0x70: {  	_ =	shalt  }
0x71: {  	_ =	shalt  }
0x72: {  	_ =	shalt  }
0x73: {  	_ =	shalt  }
0x74: {  	_ =	shalt  }
0x75: {  	_ =	shalt  }
0x76: {  	_ =	shalt  }
0x77: {  	_ =	shalt  }
0x78: {  	_ =	shalt  }
0x79: {  	_ =	shalt  }
0x7a: {  	_ =	shalt  }
0x7b: {  	_ =	shalt  }
0x7c: {  	_ =	shalt  }
0x7d: {  	_ =	shalt  }
0x7e: {  	_ =	shalt  }
0x7f: {  	_ =	shalt  }
0x80: {  	_ =	shalt  }
0x81: {  	_ =	shalt  }
0x82: {  	_ =	shalt  }
0x83: {  	_ =	shalt  }
0x84: {  	_ =	shalt  }
0x85: {  	_ =	shalt  }
0x86: {  	_ =	shalt  }
0x87: {  	_ =	shalt  }
.Lfunc_end0:
.L_simem_size_0:
called_computation.2_lowered:
.L_overlay_start_0:
0x88: {  	s2 =	sld [smem:$0x3FD9]  }
0x89: {  	s3 =	sld [smem:$0x3FFE];
	_ =	sdelay $0x1  }
0x8a: {  	s1 =	srdreg.scid  }
0x8b: {  	s0 =	sand.u32 $0x1, s1  }
0x8c: {  	s17 =	sshll.u32 s0, $0xA;
	s2 =	sadd.s32 s3, s2  }
0x8d: {  	s2 =	sadd.s32 s2, s17  }
0x8e: {  	[smem:$0x3FC4] =	sst s2  }
0x8f: {  	_ = 	snop  }
0x90: {  	s2 =	sld [smem:$0x3FD0];
	(tm) =	ssettm $0x1  }
0x91: {  	s18 =	sld [smem:$0x3FFB];
	_ =	sdelay $0x3  }
0x92: {  	_ =	strace s18  }
0x93: {  	s3 =	sld [smem:$0x3FFC];
	_ =	sdelay $0x3  }
0x94: {  	_ =	strace s3  }
0x95: {  	s3 =	sld [smem:$0x3FFD];
	_ =	sdelay $0x3  }
0x96: {  	_ =	strace s3  }
0x97: {  	_ =	strace $0x8FFFFFFF  }
0x98: {  	s19 =	sld [smem:$0x3FDB];
	_ =	sdelay $0x1  }
0x99: {  	s4 =	simm.s32 $_scs_section_size  }
0x9a: {  	s5 =	simm.s32 $_size__tile_overlayer_lowered;
	s6 =	simm.s32 $_tile_overlayer_lowered  }
0x9b: {  	s22 =	simm.s32 $0x1BFF;
	s21 =	sshll.u32 s6, $0x1;
	s3 =	sadd.s32 s4, s19  }
0x9c: {  	s7 =	simm.s32 $0x0;
	s20 =	sshll.u32 s5, $0x1;
	s5 =	sadd.s32 s21, s3  }
0x9d: {  	[timem:s7], [sflag:s22] =	dma.local [hbm:s5], s20  }
0x9e: {  	_ =	swait.ge [sflag:s22], s20  }
0x9f: {  	s4 =	ssub.s32 $0x0, s20;
	[sflag:s22] =	ssyncset.done $0x0  }
0xa0: {  	[sflag:s22] =	ssyncadd.s32 s4;
	_ =	sdelay $0x1  }
0xa1: {  	s23 =	simm.s32 $0x1B8B  }
0xa2: {  	_ =	swait.ge [sflag:s23], $0x1  }
0xa3: {  	[sflag:s23] =	ssyncset.done $0x0  }
0xa4: {  	s25 =	simm.s32 $0x1B8E;
	s24 =	sld [smem:$0x3FFE];
	[sflag:s23] =	ssyncadd.s32 $0xFFFFFFFF  }
0xa5: {  	s26 =	simm.s32 $execute0_lowered;
	[smem:$0x3FD2] =	sst s25  }
0xa6: {  	s5 =	sshll.u32 s26, $0x1;
	_ =	strace $0x8000004C;
	[dreg:$0x1] =	wrdreg $0xFFFFFFFF  }
0xa7: {  	s28 =	simm.s32 $_size_execute0_lowered;
	s3 =	sadd.s32 s3, s5;
	[dreg:$0x0] =	wrdreg $0x0  }
0xa8: {  	s5 =	sshll.u32 s28, $0x1;
	[dreg:$0x2] =	wrdreg s3  }
0xa9: {  	[dreg:$0x3] =	wrdreg s5  }
0xaa: {  	[dreg:$0x4] =	wrdreg $0xC0  }
0xab: {  	_ =	task [dreg:s7], $0x5FFFF  }
0xac: {  	[dreg:$0x1] =	wrdreg $0xFFFFFFFF  }
0xad: {  	[dreg:$0x0] =	wrdreg $0x60  }
0xae: {  	[dreg:$0x2] =	wrdreg s2  }
0xaf: {  	[dreg:$0x3] =	wrdreg s24  }
0xb0: {  	[dreg:$0x4] =	wrdreg $0x47400  }
0xb1: {  	[dreg:$0x5] =	wrdreg $0x9  }
0xb2: {  	_ =	task.clear_ibuf [dreg:s7], $0x6FFFF;
	_ =	strace $0x9000004C  }
0xb3: {  	s29 =	simm.s32 $0x9;
	_ =	strace $0x8000004E  }
0xb4: {  	_ =	swait.ge [sflag:s29], $0x1  }
0xb5: {  	[sflag:s29] =	ssyncadd.s32 $0xFFFFFFFF  }
0xb6: {  	_ =	strace $0x9000004E  }
0xb7: {  	_ =	sfence  }
0xb8: {  	s30 =	sld [smem:$0x0];
	_ =	sdelay $0x2  }
0xb9: {  	s31 =	sshll.u32 s1, $0xD;
	s1 =	sshrl.u32 s1, $0x2  }
0xba: {  	s3 =	sand.u32 $0x4000, s31;
	s1 =	sadd.s32 s1, s30  }
0xbb: {  	s0 =	sor.u32 s3, s0;
	s1 =	sshll.u32 s1, $0x11  }
0xbc: {  	s0 =	sor.u32 s1, s0  }
0xbd: {  	s0 =	sadd.s32 $0x8F2B, s0  }
0xbe: {  	[sflag:s0] =	ssyncadd.remote.s32 $0x1  }
0xbf: {  	_ =	sfence.sel $0xFFFF  }
0xc0: {  	[dreg:$0x0] =	wrdreg $0xFFFFFFFF;
	(pc) =	sbr.abs _section_cstart, $3  }
0xc1: {  	[dreg:$0x1] =	wrdreg $0xFFFFFFFF  }
0xc2: {  	_ =	task.clear_ibuf [dreg:s7], $0x2FFFF;
	_ =	strace $0x9FFFFFFF  }
0xc3: {  	(tm) =	ssettm $0x7FFFFFFF  }
tec
execute0_lowered:
.L_overlay_start_1:
0x0: {  	(tag) =	ssettag $0x1  }
0x1: {  	s1 =	rddreg [dreg:$0x0]  }
0x2: {  	s0 =	srdreg.scid;
	s6 =	rddreg [dreg:$0x1]  }
0x3: {  	s3 =	rddreg [dreg:$0x2];
	s4 =	simm.s32 $0x0;
	s14 =	simm.s32 $0x7D  }
0x4: {  	s15 =	simm.s32 $0x2800;
	s16 =	simm.s32 $0x80;
	s17 =	simm.s32 $0x2FD0  }
0x5: {  	s18 =	simm.s32 $0x100;
	s19 =	simm.s32 $0x37A0;
	s20 =	simm.s32 $0x1  }
0x6: {  	s21 =	simm.s32 $0x180;
	s22 =	simm.s32 $0x3F70;
	s23 =	simm.s32 $0x2680  }
0x7: {  	s24 =	simm.s32 $0x2700;
	s5 =	sand.u32 $0x1, s0;
	s0 =	stileid.u32  }
0x8: {  	s25 =	simm.s32 $0x2780;
	s26 =	simm.s32 $0x0;
	s8 =	smul.u32 $0x2800, s0  }
0x9: {  	[smem:$0x7FF] =	sst s4;
	s2 =	sshll.u32 s5, $0x4;
	s9 =	smul.u32 $0x28000, s5  }
0xa: {  	s5 =	ssub.s32 $0x2, s5;
	s31 =	sshll.u32 s0, $0x6;
	s2 =	sor.u32 s0, s2  }
0xb: {  	s11 =	sshrl.u32 s5, $0x1;
	s7 =	smul.u32 $0x280, s2;
	s2 =	rddreg [dreg:$0x3]  }
0xc: {  	_ =	strace $0x8000004D;
	s29 =	sadd.s32 s8, s9;
	s30 =	sshrl.u32 s8, $0x3  }
0xd: {  	s11 =	ssub.s32 s5, s11;
	s13 =	sadd.s32 s8, s3;
	s9 =	sadd.s32 s30, s6  }
0xe: {  	s10 =	sadd.s32 s7, s6;
	s7 =	sshrl.u32 s29, $0x3;
	s5 =	sadd.s32 $0x6200, s9  }
0xf: {  	s12 =	sadd.s32 s7, s6;
	s6 =	sor.u32 $0x1C02, s31;
	s7 =	sadd.s32 $0xB200, s10  }
0x10: {  	s8 =	sadd.s32 $0x1000, s10;
	s10 =	smax.u32 s11, $0x1;
	s11 =	sshrl.u32 s13, $0x3  }
0x11: {  	s13 =	simm.s32 $0x1400;
	s9 =	sadd.s32 $0x10200, s12;
	s12 =	simm.s32 $0x2  }
.LBB2_1:
0x12: {  	[spmem:s11], [sflag:s6] =	dma.local [hbm:s5], $0x500  }
0x13: {  	_ =	swait.ge [sflag:s12], $0x500  }
0x14: {  	[sflag:s12] =	ssyncset.done $0x0  }
0x15: {  	[sflag:s12] =	ssyncadd.s32 $0xFFFFFB00  }
0x16: {  	[tilespmem:s4], [sflag:$0x2] =	stream.linear.gather [hbm4b:s7+s4], $0x1400, $0x38;
	[tilespmem:$0x6F40] =	vst v63  }
0x17: {  	_ =	swait.ge [sflag:s12], $0x1400  }
0x18: {  	[sflag:s12] =	ssyncset.done $0x0  }
0x19: {  	[sflag:s12] =	ssyncadd.s32 $0xFFFFEC00  }
0x1a: {  	[tilespmem:s13], [sflag:$0x2] =	stream.linear.gather [hbm4b:s8+s4], $0x1400, $0x38;
	[tilespmem:$0x6F40] =	vst v63  }
0x1b: {  	_ =	swait.ge [sflag:s12], $0x1400  }
0x1c: {  	[sflag:s12] =	ssyncset.done $0x0  }
0x1d: {  	[sflag:s12] =	ssyncadd.s32 $0xFFFFEC00  }
0x1e: {  	[bflag:$0x0] =	sbarrier.arrive $0xFFFF  }
0x1f: {  	[tilespmem:s15], [sflag:$0x1] =	stream.indirect.gather [hbm4b:s1+s14], $0x10, s4, s14, $0xb8;
	[tilespmem:$0x6F40] =	vst v63  }
0x20: {  	_ = 	snop  }
0x21: {  	[tilespmem:s17], [sflag:$0x1] =	stream.indirect.gather [hbm4b:s1+s14], $0x10, s16, s14, $0xb8;
	[tilespmem:$0x6F40] =	vst v63  }
0x22: {  	_ = 	snop  }
0x23: {  	[tilespmem:s19], [sflag:$0x1] =	stream.indirect.gather [hbm4b:s1+s14], $0x10, s18, s14, $0xb8;
	[tilespmem:$0x6F40] =	vst v63  }
0x24: {  	_ =	swait.ge [sflag:s20], $0x7D0  }
0x25: {  	[sflag:s20] =	ssyncset.done $0x0  }
0x26: {  	[sflag:s20] =	ssyncadd.s32 $0xFFFFF830  }
0x27: {  	[tilespmem:s22], [sflag:$0x1] =	stream.indirect.gather [hbm4b:s1+s14], $0x10, s21, s14, $0xb8;
	[tilespmem:$0x6F40] =	vst v63  }
0x28: {  	_ = 	snop  }
0x29: {  	[spmem:s3] =	stream.indirect.scatter.add.f32 [tilespmem:s15], [sflag:$0x2], $0x10, s13, s14, $0xb8;
	[tilespmem:$0x6F40] =	vst v63  }
0x2a: {  	_ =	swait.ge [sflag:s12], $0x7D0  }
0x2b: {  	[sflag:s12] =	ssyncset.done $0x0  }
0x2c: {  	[sflag:s12] =	ssyncadd.s32 $0xFFFFF830  }
0x2d: {  	_ =	swait.ge [sflag:s20], $0x7D0  }
0x2e: {  	[sflag:s20] =	ssyncset.done $0x0  }
0x2f: {  	s28 =	simm.s32 $0x200;
	[sflag:s20] =	ssyncadd.s32 $0xFFFFF830  }
0x30: {  	[tilespmem:s15], [sflag:$0x1] =	stream.indirect.gather [hbm4b:s1+s14], $0x10, s28, s14, $0xb8;
	[tilespmem:$0x6F40] =	vst v63  }
0x31: {  	s28 =	simm.s32 $0x1480  }
0x32: {  	[spmem:s3] =	stream.indirect.scatter.add.f32 [tilespmem:s17], [sflag:$0x2], $0x10, s28, s14, $0xb8;
	[tilespmem:$0x6F40] =	vst v63  }
0x33: {  	_ =	swait.ge [sflag:s12], $0x7D0  }
0x34: {  	[sflag:s12] =	ssyncset.done $0x0  }
0x35: {  	[sflag:s12] =	ssyncadd.s32 $0xFFFFF830  }
0x36: {  	_ =	swait.ge [sflag:s20], $0x7D0  }
0x37: {  	[sflag:s20] =	ssyncset.done $0x0  }
0x38: {  	s28 =	simm.s32 $0x280;
	[sflag:s20] =	ssyncadd.s32 $0xFFFFF830  }
0x39: {  	[tilespmem:s17], [sflag:$0x1] =	stream.indirect.gather [hbm4b:s1+s14], $0x10, s28, s14, $0xb8;
	[tilespmem:$0x6F40] =	vst v63  }
0x3a: {  	s28 =	simm.s32 $0x1500  }
0x3b: {  	[spmem:s3] =	stream.indirect.scatter.add.f32 [tilespmem:s19], [sflag:$0x2], $0x10, s28, s14, $0xb8;
	[tilespmem:$0x6F40] =	vst v63  }
0x3c: {  	_ =	swait.ge [sflag:s12], $0x7D0  }
0x3d: {  	[sflag:s12] =	ssyncset.done $0x0  }
0x3e: {  	[sflag:s12] =	ssyncadd.s32 $0xFFFFF830  }
0x3f: {  	_ =	swait.ge [sflag:s20], $0x7D0  }
0x40: {  	[sflag:s20] =	ssyncset.done $0x0  }
0x41: {  	s28 =	simm.s32 $0x300;
	[sflag:s20] =	ssyncadd.s32 $0xFFFFF830  }
0x42: {  	[tilespmem:s19], [sflag:$0x1] =	stream.indirect.gather [hbm4b:s1+s14], $0x10, s28, s14, $0xb8;
	[tilespmem:$0x6F40] =	vst v63  }
0x43: {  	s28 =	simm.s32 $0x1580  }
0x44: {  	[spmem:s3] =	stream.indirect.scatter.add.f32 [tilespmem:s22], [sflag:$0x2], $0x10, s28, s14, $0xb8;
	[tilespmem:$0x6F40] =	vst v63  }
0x45: {  	_ =	swait.ge [sflag:s12], $0x7D0  }
0x46: {  	[sflag:s12] =	ssyncset.done $0x0  }
0x47: {  	[sflag:s12] =	ssyncadd.s32 $0xFFFFF830  }
0x48: {  	_ =	swait.ge [sflag:s20], $0x7D0  }
0x49: {  	[sflag:s20] =	ssyncset.done $0x0  }
0x4a: {  	s28 =	simm.s32 $0x380;
	[sflag:s20] =	ssyncadd.s32 $0xFFFFF830  }
0x4b: {  	[tilespmem:s22], [sflag:$0x1] =	stream.indirect.gather [hbm4b:s1+s14], $0x10, s28, s14, $0xb8;
	[tilespmem:$0x6F40] =	vst v63  }
0x4c: {  	s28 =	simm.s32 $0x1600  }
0x4d: {  	[spmem:s3] =	stream.indirect.scatter.add.f32 [tilespmem:s15], [sflag:$0x2], $0x10, s28, s14, $0xb8;
	[tilespmem:$0x6F40] =	vst v63  }
0x4e: {  	_ =	swait.ge [sflag:s12], $0x7D0  }
0x4f: {  	s28 =	simm.s32 $0x800;
	[sflag:s12] =	ssyncset.done $0x0  }
.LBB2_2:
0x50: {  	p0 =	sne.s32 s28, $0x4000  }
0x51: {  	[sflag:s12] =	ssyncadd.s32 $0xFFFFF830;
	s29 =	smov.u32 s28;
	s28 =	sadd.s32 $0x800, s28  }
0x52: {  	_ = 	snop  }
0x53: {  	_ =	swait.ge [sflag:s20], $0x7D0  }
0x54: {  	s29 =	sshra.s32 s29, $0x2;
	[sflag:s20] =	ssyncset.done $0x0  }
0x55: {  	s30 =	sadd.s32 $0x200, s29;
	[sflag:s20] =	ssyncadd.s32 $0xFFFFF830  }
0x56: {  	[tilespmem:s15], [sflag:$0x1] =	stream.indirect.gather [hbm4b:s1+s14], $0x10, s30, s14, $0xb8;
	[tilespmem:$0x6F40] =	vst v63  }
0x57: {  	s30 =	sadd.s32 $0x1480, s29  }
0x58: {  	[spmem:s3] =	stream.indirect.scatter.add.f32 [tilespmem:s17], [sflag:$0x2], $0x10, s30, s14, $0xb8;
	[tilespmem:$0x6F40] =	vst v63  }
0x59: {  	_ =	swait.ge [sflag:s12], $0x7D0  }
0x5a: {  	[sflag:s12] =	ssyncset.done $0x0  }
0x5b: {  	[sflag:s12] =	ssyncadd.s32 $0xFFFFF830  }
0x5c: {  	_ =	swait.ge [sflag:s20], $0x7D0  }
0x5d: {  	[sflag:s20] =	ssyncset.done $0x0  }
0x5e: {  	s30 =	sadd.s32 $0x280, s29;
	[sflag:s20] =	ssyncadd.s32 $0xFFFFF830  }
0x5f: {  	[tilespmem:s17], [sflag:$0x1] =	stream.indirect.gather [hbm4b:s1+s14], $0x10, s30, s14, $0xb8;
	[tilespmem:$0x6F40] =	vst v63  }
0x60: {  	s30 =	sadd.s32 $0x1500, s29  }
0x61: {  	[spmem:s3] =	stream.indirect.scatter.add.f32 [tilespmem:s19], [sflag:$0x2], $0x10, s30, s14, $0xb8;
	[tilespmem:$0x6F40] =	vst v63  }
0x62: {  	_ =	swait.ge [sflag:s12], $0x7D0  }
0x63: {  	[sflag:s12] =	ssyncset.done $0x0  }
0x64: {  	[sflag:s12] =	ssyncadd.s32 $0xFFFFF830  }
0x65: {  	_ =	swait.ge [sflag:s20], $0x7D0  }
0x66: {  	[sflag:s20] =	ssyncset.done $0x0  }
0x67: {  	s30 =	sadd.s32 $0x300, s29;
	[sflag:s20] =	ssyncadd.s32 $0xFFFFF830  }
0x68: {  	[tilespmem:s19], [sflag:$0x1] =	stream.indirect.gather [hbm4b:s1+s14], $0x10, s30, s14, $0xb8;
	[tilespmem:$0x6F40] =	vst v63  }
0x69: {  	s30 =	sadd.s32 $0x1580, s29  }
0x6a: {  	[spmem:s3] =	stream.indirect.scatter.add.f32 [tilespmem:s22], [sflag:$0x2], $0x10, s30, s14, $0xb8;
	[tilespmem:$0x6F40] =	vst v63  }
0x6b: {  	_ =	swait.ge [sflag:s12], $0x7D0  }
0x6c: {  	[sflag:s12] =	ssyncset.done $0x0  }
0x6d: {  	[sflag:s12] =	ssyncadd.s32 $0xFFFFF830  }
0x6e: {  	_ =	swait.ge [sflag:s20], $0x7D0  }
0x6f: {  	[sflag:s20] =	ssyncset.done $0x0  }
0x70: {  	s30 =	sadd.s32 $0x380, s29;
	[sflag:s20] =	ssyncadd.s32 $0xFFFFF830  }
0x71: {  	[tilespmem:s22], [sflag:$0x1] =	stream.indirect.gather [hbm4b:s1+s14], $0x10, s30, s14, $0xb8;
	[tilespmem:$0x6F40] =	vst v63  }
.Ltmp0:
0x72: {  	_ = 	snop;
	(pc) =	sbr.rel @p0 .LBB2_2-.Ltmp0, $4  }
0x73: {  	s29 =	sadd.s32 $0x1600, s29  }
0x74: {  	[spmem:s3] =	stream.indirect.scatter.add.f32 [tilespmem:s15], [sflag:$0x2], $0x10, s29, s14, $0xb8;
	[tilespmem:$0x6F40] =	vst v63  }
0x75: {  	_ =	swait.ge [sflag:s12], $0x7D0  }
0x76: {  	[sflag:s12] =	ssyncset.done $0x0  }
0x77: {  	[sflag:s12] =	ssyncadd.s32 $0xFFFFF830  }
0x78: {  	_ =	swait.ge [sflag:s20], $0x7D0  }
0x79: {  	[sflag:s20] =	ssyncset.done $0x0  }
0x7a: {  	[sflag:s20] =	ssyncadd.s32 $0xFFFFF830  }
0x7b: {  	[spmem:s3] =	stream.indirect.scatter.add.f32 [tilespmem:s17], [sflag:$0x2], $0x10, s23, s14, $0xb8;
	[tilespmem:$0x6F40] =	vst v63  }
0x7c: {  	_ =	swait.ge [sflag:s12], $0x7D0  }
0x7d: {  	[sflag:s12] =	ssyncset.done $0x0  }
0x7e: {  	[sflag:s12] =	ssyncadd.s32 $0xFFFFF830  }
0x7f: {  	_ =	swait.ge [sflag:s20], $0x7D0  }
0x80: {  	[sflag:s20] =	ssyncset.done $0x0  }
0x81: {  	[sflag:s20] =	ssyncadd.s32 $0xFFFFF830  }
0x82: {  	[spmem:s3] =	stream.indirect.scatter.add.f32 [tilespmem:s19], [sflag:$0x2], $0x10, s24, s14, $0xb8;
	[tilespmem:$0x6F40] =	vst v63  }
0x83: {  	_ =	swait.ge [sflag:s12], $0x7D0  }
0x84: {  	[sflag:s12] =	ssyncset.done $0x0  }
0x85: {  	[sflag:s12] =	ssyncadd.s32 $0xFFFFF830  }
0x86: {  	_ =	swait.ge [sflag:s20], $0x7D0  }
0x87: {  	[sflag:s20] =	ssyncset.done $0x0  }
0x88: {  	[sflag:s20] =	ssyncadd.s32 $0xFFFFF830  }
0x89: {  	[spmem:s3] =	stream.indirect.scatter.add.f32 [tilespmem:s22], [sflag:$0x2], $0x10, s25, s14, $0xb8;
	[tilespmem:$0x6F40] =	vst v63  }
0x8a: {  	_ =	swait.ge [sflag:s12], $0x7D0  }
0x8b: {  	s26 =	sadd.s32 $0x1, s26;
	[sflag:s12] =	ssyncset.done $0x0  }
0x8c: {  	p0 =	sne.s32 s26, s10;
	[sflag:s12] =	ssyncadd.s32 $0xFFFFF830  }
.Ltmp1:
0x8d: {  	[bflag:$0x0] =	sbarrier.arrive $0xFFFF;
	(pc) =	sbr.rel @p0 .LBB2_1-.Ltmp1, $4  }
0x8e: {  	[hbm:s9], [sflag:s6] =	dma.local [spmem:s11], $0x500  }
0x8f: {  	_ =	swait.ge [sflag:s12], $0x500  }
0x90: {  	[sflag:s12] =	ssyncset.done $0x0  }
0x91: {  	[sflag:s12] =	ssyncadd.s32 $0xFFFFFB00  }
0x92: {  	_ =	sfence.sel $0x180000  }
0x93: {  	[bflag:$0x0] =	sbarrier.arrive $0xFFFF  }
0x94: {  	p0 =	sne.s32 s0, $0x0;
	_ =	strace $0x9000004D  }
0x95: {  	s0 =	sadd.s32 @!p0 $0x100000, s2;
	[bflag:$0x2] =	sbarrier.arrive $0xFFFF  }
0x96: {  	[sflag:s0] =	ssyncadd.tile.s32 @!p0 $0x1;
	_ =	shalt  }
.Lfunc_end2:
_tile_overlayer_lowered:
.L_overlay_start_2:
0x97: {  	(tag) =	ssettag $0x2  }
0x98: {  	s0 =	rddreg [dreg:$0x0];
	s2 =	stileid.u32  }
0x99: {  	s1 =	rddreg [dreg:$0x1];
	p0 =	sne.s32 s2, $0x0  }
0x9a: {  	s3 =	rddreg [dreg:$0x2];
	[bflag:$0x3] =	sbarrier.arrive $0xFFFF;
	s2 =	simm.s32 @!p0 $0x1C02  }
0x9b: {  	[timem:s3], [sflag:s2] =	dma.local @!p0 [hbm:s0], s1  }
0x9c: {  	s0 =	simm.s32 @!p0 $0x2  }
0x9d: {  	_ =	swait.ge @!p0 [sflag:s0], s1  }
0x9e: {  	s1 =	ssub.s32 @!p0 $0x0, s1;
	[sflag:s0] =	ssyncset.done @!p0 $0x0  }
0x9f: {  	[sflag:s0] =	ssyncadd.s32 @!p0 s1  }
0xa0: {  	[bflag:$0x3] =	sbarrier.arrive $0xFFFF  }
0xa1: {  	_ =	shalt  }

// kernel: kernel.9.cloned.1.call-start
scs
__scs_entry_jumppad:
0x0: {  	(pc) =	sbr.rel $0x88, $3  }
0x1: {  	(tag) =	ssettag $0x0;
	lr =	simm.s32 $0x1  }
0x2: {  	[smem:$0x3F9D] =	sst lr;
	_ =	strace $0xD0000000  }
0x3: {  	_ = 	snop  }
0x4: {  	_ = 	snop  }
0x5: {  	_ = 	snop  }
0x6: {  	_ = 	snop  }
0x7: {  	_ = 	snop  }
__scs_overlays_trampoline_lowered:
0x8: {  	[smem:$0x3FAC] =	sst s0  }
0x9: {  	[smem:$0x3FAD] =	sst s1  }
0xa: {  	[smem:$0x3FAE] =	sst s2  }
0xb: {  	[smem:$0x3FAF] =	sst s3  }
0xc: {  	[smem:$0x3FB0] =	sst s4  }
0xd: {  	[smem:$0x3FB1] =	sst s5  }
0xe: {  	[smem:$0x3FB2] =	sst s6  }
0xf: {  	[smem:$0x3FB3] =	sst s7  }
0x10: {  	[smem:$0x3FB4] =	sst s8  }
0x11: {  	[smem:$0x3FB5] =	sst s9;
	s0 =	simm.s32 @!p0 $0x0  }
0x12: {  	s1 =	sld [smem:$0x3F9B];
	s0 =	simm.s32 @p0 $0x1  }
0x13: {  	[smem:$0x3FB6] =	sst s0;
	s0 =	simm.s32 @!p1 $0x0  }
0x14: {  	s2 =	sld [smem:$0x3F9A];
	s0 =	simm.s32 @p1 $0x1  }
0x15: {  	[smem:$0x3FB7] =	sst s0;
	s0 =	simm.s32 @!p2 $0x0  }
0x16: {  	s3 =	sld [smem:$0x3FDB];
	s0 =	simm.s32 @p2 $0x1  }
0x17: {  	s4 =	simm.s32 $0x1BF5;
	[smem:$0x3FB9] =	sst s0  }
0x18: {  	s0 =	sld [smem:$0x3F9C];
	_ =	swait.ge [sflag:s4], $0x0  }
0x19: {  	s7 =	sld [smem:$0x3F9D]  }
0x1a: {  	s8 =	sadd.s32 $0xFFFFE003, lr  }
0x1b: {  	s9 =	sadd.s32 $0xFFFFFEF7, lr;
	s5 =	simm.s32 $0xFFFFFFFF;
	p2 =	slt.u32 s8, $0xFFFFF086  }
0x1c: {  	p1 =	slt.u32 s9, $0xF7A;
	s5 =	simm.s32 @!p2 $0x0  }
0x1d: {  	s5 =	simm.s32 @p1 $0x1;
	p0 =	seq.s32 s7, s2  }
0x1e: {  	s7 =	smul.u32 @!p0 $0xF7A, s2;
	p2 =	seq.s32 @!p0 s5, $0x0  }
0x1f: {  	s9 =	smul.u32 $0xF7A, s1;
	s8 =	simm.s32 @!p0 $0x1BF5;
	p2 =	por !p2, p0  }
0x20: {  	[sflag:s8] =	ssyncset.s32 @!p0 $0xFFFFF086;
	s6 =	sadd.s32 @!p0 s3, s7;
	s7 =	simm.s32 @!p0 $0x108  }
0x21: {  	s3 =	sadd.s32 s3, s9;
	s6 =	sadd.s32 @!p0 $0x88, s6;
	s7 =	simm.s32 @p2 $0x1082  }
0x22: {  	[simem:s7], [sflag:s8] =	dma.local @!p0 [hbm:s6], $0xF7A  }
0x23: {  	s9 =	sor.u32 $0xD0000000, s2;
	s6 =	simm.s32 $0x108;
	_ =	swait.ge @!p0 [sflag:s8], $0x0  }
0x24: {  	s3 =	sadd.s32 $0x88, s3;
	s6 =	simm.s32 @!p1 $0x1082;
	[sflag:s4] =	ssyncset.s32 $0xFFFFF086  }
0x25: {  	[simem:s6], [sflag:s4] =	dma.local [hbm:s3], $0xF7A  }
0x26: {  	[smem:$0x3F9D] =	sst s1;
	(tag) =	ssettag s2;
	_ =	strace s9  }
0x27: {  	s1 =	sld [smem:$0x3FAD]  }
0x28: {  	s2 =	sld [smem:$0x3FAE]  }
0x29: {  	s4 =	sld [smem:$0x3FB0]  }
0x2a: {  	p0 =	seq.s32 s5, $0x0;
	s5 =	sld [smem:$0x3FB1]  }
0x2b: {  	s6 =	sld [smem:$0x3FB2]  }
0x2c: {  	s7 =	sld [smem:$0x3FB3]  }
0x2d: {  	s3 =	simm.s32 $0x108;
	s8 =	sld [smem:$0x3FB4]  }
0x2e: {  	s3 =	simm.s32 @!p0 $0x1082;
	s9 =	sld [smem:$0x3FB5]  }
0x2f: {  	lr =	sadd.s32 s0, s3;
	s0 =	sld [smem:$0x3FAC]  }
0x30: {  	s3 =	sld [smem:$0x3FAF]  }
0x31: {  	[smem:$0x3FB8] =	sst s10  }
0x32: {  	s10 =	sld [smem:$0x3FB6];
	_ =	sdelay $0x3  }
0x33: {  	p0 =	seq.s32 s10, $0x1;
	s10 =	sld [smem:$0x3FB8];
	_ =	sdelay $0x3  }
0x34: {  	[smem:$0x3FB8] =	sst s10  }
0x35: {  	s10 =	sld [smem:$0x3FB7];
	_ =	sdelay $0x3  }
0x36: {  	p1 =	seq.s32 s10, $0x1;
	s10 =	sld [smem:$0x3FB8];
	_ =	sdelay $0x3  }
0x37: {  	[smem:$0x3FB8] =	sst s10  }
0x38: {  	s10 =	sld [smem:$0x3FB9]  }
0x39: {  	_ = 	snop;
	(pc) =	sbr.ind lr, $3  }
0x3a: {  	_ = 	snop  }
0x3b: {  	_ = 	snop  }
0x3c: {  	p2 =	seq.s32 s10, $0x1;
	s10 =	sld [smem:$0x3FB8]  }
0x3d: {  	_ =	shalt  }
0x3e: {  	_ =	shalt  }
0x3f: {  	_ =	shalt  }
0x40: {  	_ =	shalt  }
0x41: {  	_ =	shalt  }
0x42: {  	_ =	shalt  }
0x43: {  	_ =	shalt  }
0x44: {  	_ =	shalt  }
0x45: {  	_ =	shalt  }
0x46: {  	_ =	shalt  }
0x47: {  	_ =	shalt  }
0x48: {  	_ =	shalt  }
0x49: {  	_ =	shalt  }
0x4a: {  	_ =	shalt  }
0x4b: {  	_ =	shalt  }
0x4c: {  	_ =	shalt  }
0x4d: {  	_ =	shalt  }
0x4e: {  	_ =	shalt  }
0x4f: {  	_ =	shalt  }
0x50: {  	_ =	shalt  }
0x51: {  	_ =	shalt  }
0x52: {  	_ =	shalt  }
0x53: {  	_ =	shalt  }
0x54: {  	_ =	shalt  }
0x55: {  	_ =	shalt  }
0x56: {  	_ =	shalt  }
0x57: {  	_ =	shalt  }
0x58: {  	_ =	shalt  }
0x59: {  	_ =	shalt  }
0x5a: {  	_ =	shalt  }
0x5b: {  	_ =	shalt  }
0x5c: {  	_ =	shalt  }
0x5d: {  	_ =	shalt  }
0x5e: {  	_ =	shalt  }
0x5f: {  	_ =	shalt  }
0x60: {  	_ =	shalt  }
0x61: {  	_ =	shalt  }
0x62: {  	_ =	shalt  }
0x63: {  	_ =	shalt  }
0x64: {  	_ =	shalt  }
0x65: {  	_ =	shalt  }
0x66: {  	_ =	shalt  }
0x67: {  	_ =	shalt  }
0x68: {  	_ =	shalt  }
0x69: {  	_ =	shalt  }
0x6a: {  	_ =	shalt  }
0x6b: {  	_ =	shalt  }
0x6c: {  	_ =	shalt  }
0x6d: {  	_ =	shalt  }
0x6e: {  	_ =	shalt  }
0x6f: {  	_ =	shalt  }
0x70: {  	_ =	shalt  }
0x71: {  	_ =	shalt  }
0x72: {  	_ =	shalt  }
0x73: {  	_ =	shalt  }
0x74: {  	_ =	shalt  }
0x75: {  	_ =	shalt  }
0x76: {  	_ =	shalt  }
0x77: {  	_ =	shalt  }
0x78: {  	_ =	shalt  }
0x79: {  	_ =	shalt  }
0x7a: {  	_ =	shalt  }
0x7b: {  	_ =	shalt  }
0x7c: {  	_ =	shalt  }
0x7d: {  	_ =	shalt  }
0x7e: {  	_ =	shalt  }
0x7f: {  	_ =	shalt  }
0x80: {  	_ =	shalt  }
0x81: {  	_ =	shalt  }
0x82: {  	_ =	shalt  }
0x83: {  	_ =	shalt  }
0x84: {  	_ =	shalt  }
0x85: {  	_ =	shalt  }
0x86: {  	_ =	shalt  }
0x87: {  	_ =	shalt  }
.Lfunc_end0:
.L_simem_size_0:
called_computation_lowered:
.L_overlay_start_0:
0x88: {  	s2 =	sld [smem:$0x3FD9]  }
0x89: {  	s3 =	sld [smem:$0x3FFE];
	_ =	sdelay $0x1  }
0x8a: {  	s1 =	srdreg.scid  }
0x8b: {  	s0 =	sand.u32 $0x1, s1  }
0x8c: {  	s17 =	sshll.u32 s0, $0xA;
	s2 =	sadd.s32 s3, s2  }
0x8d: {  	s2 =	sadd.s32 s2, s17  }
0x8e: {  	[smem:$0x3FC4] =	sst s2  }
0x8f: {  	_ = 	snop  }
0x90: {  	s2 =	sld [smem:$0x3FD0];
	(tm) =	ssettm $0x1  }
0x91: {  	s18 =	sld [smem:$0x3FFB];
	_ =	sdelay $0x3  }
0x92: {  	_ =	strace s18  }
0x93: {  	s3 =	sld [smem:$0x3FFC];
	_ =	sdelay $0x3  }
0x94: {  	_ =	strace s3  }
0x95: {  	s3 =	sld [smem:$0x3FFD];
	_ =	sdelay $0x3  }
0x96: {  	_ =	strace s3  }
0x97: {  	_ =	strace $0x8FFFFFFF  }
0x98: {  	s19 =	sld [smem:$0x3FDB];
	_ =	sdelay $0x1  }
0x99: {  	s4 =	simm.s32 $_scs_section_size  }
0x9a: {  	s5 =	simm.s32 $_size__tile_overlayer_lowered;
	s6 =	simm.s32 $_tile_overlayer_lowered  }
0x9b: {  	s22 =	simm.s32 $0x1BFF;
	s21 =	sshll.u32 s6, $0x1;
	s3 =	sadd.s32 s4, s19  }
0x9c: {  	s7 =	simm.s32 $0x0;
	s20 =	sshll.u32 s5, $0x1;
	s5 =	sadd.s32 s21, s3  }
0x9d: {  	[timem:s7], [sflag:s22] =	dma.local [hbm:s5], s20  }
0x9e: {  	_ =	swait.ge [sflag:s22], s20  }
0x9f: {  	s4 =	ssub.s32 $0x0, s20;
	[sflag:s22] =	ssyncset.done $0x0  }
0xa0: {  	[sflag:s22] =	ssyncadd.s32 s4;
	_ =	sdelay $0x1  }
0xa1: {  	s23 =	simm.s32 $0x1B8B  }
0xa2: {  	_ =	swait.ge [sflag:s23], $0x1  }
0xa3: {  	[sflag:s23] =	ssyncset.done $0x0  }
0xa4: {  	s25 =	simm.s32 $0x1B8E;
	s24 =	sld [smem:$0x3FFE];
	[sflag:s23] =	ssyncadd.s32 $0xFFFFFFFF  }
0xa5: {  	s26 =	simm.s32 $execute0_lowered;
	[smem:$0x3FD2] =	sst s25  }
0xa6: {  	s5 =	sshll.u32 s26, $0x1;
	_ =	strace $0x80000046;
	[dreg:$0x1] =	wrdreg $0xFFFFFFFF  }
0xa7: {  	s28 =	simm.s32 $_size_execute0_lowered;
	s3 =	sadd.s32 s3, s5;
	[dreg:$0x0] =	wrdreg $0x0  }
0xa8: {  	s5 =	sshll.u32 s28, $0x1;
	[dreg:$0x2] =	wrdreg s3  }
0xa9: {  	[dreg:$0x3] =	wrdreg s5  }
0xaa: {  	[dreg:$0x4] =	wrdreg $0xC0  }
0xab: {  	_ =	task [dreg:s7], $0x5FFFF  }
0xac: {  	[dreg:$0x1] =	wrdreg $0xFFFFFFFF  }
0xad: {  	[dreg:$0x0] =	wrdreg $0x60  }
0xae: {  	[dreg:$0x2] =	wrdreg s24  }
0xaf: {  	[dreg:$0x3] =	wrdreg s2  }
0xb0: {  	[dreg:$0x4] =	wrdreg $0x1BD00  }
0xb1: {  	[dreg:$0x5] =	wrdreg $0x9  }
0xb2: {  	_ =	task.clear_ibuf [dreg:s7], $0x6FFFF;
	_ =	strace $0x90000046  }
0xb3: {  	s29 =	simm.s32 $0x9;
	_ =	strace $0x80000048  }
0xb4: {  	_ =	swait.ge [sflag:s29], $0x1  }
0xb5: {  	[sflag:s29] =	ssyncadd.s32 $0xFFFFFFFF  }
0xb6: {  	_ =	strace $0x90000048  }
0xb7: {  	_ =	sfence  }
0xb8: {  	s30 =	sld [smem:$0x0];
	_ =	sdelay $0x2  }
0xb9: {  	s31 =	sshll.u32 s1, $0xD;
	s1 =	sshrl.u32 s1, $0x2  }
0xba: {  	s3 =	sand.u32 $0x4000, s31;
	s1 =	sadd.s32 s1, s30  }
0xbb: {  	s0 =	sor.u32 s3, s0;
	s1 =	sshll.u32 s1, $0x11  }
0xbc: {  	s0 =	sor.u32 s1, s0  }
0xbd: {  	s0 =	sadd.s32 $0x8F2B, s0  }
0xbe: {  	[sflag:s0] =	ssyncadd.remote.s32 $0x1  }
0xbf: {  	_ =	sfence.sel $0xFFFF  }
0xc0: {  	[dreg:$0x0] =	wrdreg $0xFFFFFFFF;
	(pc) =	sbr.abs _section_cstart, $3  }
0xc1: {  	[dreg:$0x1] =	wrdreg $0xFFFFFFFF  }
0xc2: {  	_ =	task.clear_ibuf [dreg:s7], $0x2FFFF;
	_ =	strace $0x9FFFFFFF  }
0xc3: {  	(tm) =	ssettm $0x7FFFFFFF  }
tec
execute0_lowered:
.L_overlay_start_1:
0x0: {  	(tag) =	ssettag $0x1  }
0x1: {  	s0 =	srdreg.scid;
	s1 =	rddreg [dreg:$0x0]  }
0x2: {  	s8 =	rddreg [dreg:$0x1];
	s11 =	stileid.u32  }
0x3: {  	s2 =	rddreg [dreg:$0x2];
	s12 =	simm.s32 $0x1400;
	s13 =	simm.s32 $0x7D  }
0x4: {  	s18 =	simm.s32 $0xC00;
	s19 =	simm.s32 $0xC80;
	s20 =	simm.s32 $0xD00  }
0x5: {  	s21 =	simm.s32 $0xD80;
	s22 =	simm.s32 $0xE00;
	s23 =	simm.s32 $0xE80  }
0x6: {  	s28 =	simm.s32 $0x1080;
	s29 =	simm.s32 $0x1100;
	s30 =	simm.s32 $0x1180  }
0x7: {  	s31 =	simm.s32 $0x1200;
	s14 =	simm.s32 $0x1380;
	s15 =	simm.s32 $0x1  }
0x8: {  	s16 =	simm.s32 $0x0;
	s0 =	sand.u32 $0x1, s0;
	s5 =	smul.u32 $0x2800, s11  }
0x9: {  	s26 =	sshll.u32 s11, $0x6;
	s3 =	sshll.u32 s0, $0x4;
	s6 =	ssub.s32 $0x2, s0  }
0xa: {  	s0 =	smul.u32 $0x28000, s0;
	s4 =	sor.u32 s11, s3;
	s3 =	simm.s32 $0x0  }
0xb: {  	s9 =	sshrl.u32 s5, $0x3;
	s10 =	sshrl.u32 s6, $0x1;
	s25 =	sadd.s32 s5, s2  }
0xc: {  	s11 =	simm.s32 $0x2;
	s4 =	smul.u32 $0x280, s4;
	[smem:$0x7FF] =	sst s3  }
0xd: {  	s24 =	ssub.s32 s6, s10;
	s0 =	sadd.s32 s5, s0;
	s6 =	sor.u32 $0x1C02, s26  }
0xe: {  	s10 =	sshrl.u32 s25, $0x3;
	s25 =	simm.s32 $0xF80;
	s26 =	simm.s32 $0x1000  }
0xf: {  	_ =	strace $0x80000047;
	s0 =	sshrl.u32 s0, $0x3;
	s7 =	sadd.s32 s4, s1  }
0x10: {  	s4 =	sadd.s32 $0x6000, s1;
	s1 =	sadd.s32 s9, s1;
	s8 =	sadd.s32 s8, s0  }
0x11: {  	s9 =	smax.u32 s24, $0x1;
	s24 =	simm.s32 $0xF00;
	s0 =	simm.s32 $0x1300  }
0x12: {  	s5 =	sadd.s32 $0x6200, s1;
	s7 =	sadd.s32 $0x1000, s7;
	s1 =	simm.s32 $0x1280  }
.LBB2_1:
0x13: {  	[spmem:s10], [sflag:s6] =	dma.local [hbm:s5], $0x500  }
0x14: {  	_ =	swait.ge [sflag:s11], $0x500  }
0x15: {  	[sflag:s11] =	ssyncset.done $0x0  }
0x16: {  	[sflag:s11] =	ssyncadd.s32 $0xFFFFFB00  }
0x17: {  	[tilespmem:s3], [sflag:$0x2] =	stream.linear.gather [hbm4b:s7+s3], $0x1400, $0x38;
	[tilespmem:$0x43D0] =	vst v63  }
0x18: {  	_ =	swait.ge [sflag:s11], $0x1400  }
0x19: {  	[sflag:s11] =	ssyncset.done $0x0  }
0x1a: {  	[sflag:s11] =	ssyncadd.s32 $0xFFFFEC00  }
0x1b: {  	[tilespmem:s12], [sflag:$0x2] =	stream.linear.gather [hbm4b:s4+s3], $0x7D0, $0x38;
	[tilespmem:$0x43D0] =	vst v63  }
0x1c: {  	_ =	swait.ge [sflag:s11], $0x7D0  }
0x1d: {  	[sflag:s11] =	ssyncset.done $0x0  }
0x1e: {  	[sflag:s11] =	ssyncadd.s32 $0xFFFFF830  }
0x1f: {  	[bflag:$0x0] =	sbarrier.arrive $0xFFFF  }
0x20: {  	[spmem:s2] =	stream.indirect.scatter.add.f32 [tilespmem:s12], [sflag:$0x1], $0x10, s3, s13, $0xb8;
	[tilespmem:$0x43D0] =	vst v63  }
0x21: {  	s17 =	simm.s32 $0x80  }
0x22: {  	[spmem:s2] =	stream.indirect.scatter.add.f32 [tilespmem:s12], [sflag:$0x1], $0x10, s17, s13, $0xb8;
	[tilespmem:$0x43D0] =	vst v63  }
0x23: {  	s17 =	simm.s32 $0x100  }
0x24: {  	[spmem:s2] =	stream.indirect.scatter.add.f32 [tilespmem:s12], [sflag:$0x1], $0x10, s17, s13, $0xb8;
	[tilespmem:$0x43D0] =	vst v63  }
0x25: {  	s17 =	simm.s32 $0x180  }
0x26: {  	[spmem:s2] =	stream.indirect.scatter.add.f32 [tilespmem:s12], [sflag:$0x1], $0x10, s17, s13, $0xb8;
	[tilespmem:$0x43D0] =	vst v63  }
0x27: {  	s17 =	simm.s32 $0x200  }
0x28: {  	[spmem:s2] =	stream.indirect.scatter.add.f32 [tilespmem:s12], [sflag:$0x1], $0x10, s17, s13, $0xb8;
	[tilespmem:$0x43D0] =	vst v63  }
0x29: {  	s17 =	simm.s32 $0x280  }
0x2a: {  	[spmem:s2] =	stream.indirect.scatter.add.f32 [tilespmem:s12], [sflag:$0x1], $0x10, s17, s13, $0xb8;
	[tilespmem:$0x43D0] =	vst v63  }
0x2b: {  	s17 =	simm.s32 $0x300  }
0x2c: {  	[spmem:s2] =	stream.indirect.scatter.add.f32 [tilespmem:s12], [sflag:$0x1], $0x10, s17, s13, $0xb8;
	[tilespmem:$0x43D0] =	vst v63  }
0x2d: {  	s17 =	simm.s32 $0x380  }
0x2e: {  	[spmem:s2] =	stream.indirect.scatter.add.f32 [tilespmem:s12], [sflag:$0x1], $0x10, s17, s13, $0xb8;
	[tilespmem:$0x43D0] =	vst v63  }
0x2f: {  	s17 =	simm.s32 $0x400  }
0x30: {  	[spmem:s2] =	stream.indirect.scatter.add.f32 [tilespmem:s12], [sflag:$0x1], $0x10, s17, s13, $0xb8;
	[tilespmem:$0x43D0] =	vst v63  }
0x31: {  	s17 =	simm.s32 $0x480  }
0x32: {  	[spmem:s2] =	stream.indirect.scatter.add.f32 [tilespmem:s12], [sflag:$0x1], $0x10, s17, s13, $0xb8;
	[tilespmem:$0x43D0] =	vst v63  }
0x33: {  	s17 =	simm.s32 $0x500  }
0x34: {  	[spmem:s2] =	stream.indirect.scatter.add.f32 [tilespmem:s12], [sflag:$0x1], $0x10, s17, s13, $0xb8;
	[tilespmem:$0x43D0] =	vst v63  }
0x35: {  	s17 =	simm.s32 $0x580  }
0x36: {  	[spmem:s2] =	stream.indirect.scatter.add.f32 [tilespmem:s12], [sflag:$0x1], $0x10, s17, s13, $0xb8;
	[tilespmem:$0x43D0] =	vst v63  }
0x37: {  	s17 =	simm.s32 $0x600  }
0x38: {  	[spmem:s2] =	stream.indirect.scatter.add.f32 [tilespmem:s12], [sflag:$0x1], $0x10, s17, s13, $0xb8;
	[tilespmem:$0x43D0] =	vst v63  }
0x39: {  	s17 =	simm.s32 $0x680  }
0x3a: {  	[spmem:s2] =	stream.indirect.scatter.add.f32 [tilespmem:s12], [sflag:$0x1], $0x10, s17, s13, $0xb8;
	[tilespmem:$0x43D0] =	vst v63  }
0x3b: {  	s17 =	simm.s32 $0x700  }
0x3c: {  	[spmem:s2] =	stream.indirect.scatter.add.f32 [tilespmem:s12], [sflag:$0x1], $0x10, s17, s13, $0xb8;
	[tilespmem:$0x43D0] =	vst v63  }
0x3d: {  	s17 =	simm.s32 $0x780  }
0x3e: {  	[spmem:s2] =	stream.indirect.scatter.add.f32 [tilespmem:s12], [sflag:$0x1], $0x10, s17, s13, $0xb8;
	[tilespmem:$0x43D0] =	vst v63  }
0x3f: {  	s17 =	simm.s32 $0x800  }
0x40: {  	[spmem:s2] =	stream.indirect.scatter.add.f32 [tilespmem:s12], [sflag:$0x1], $0x10, s17, s13, $0xb8;
	[tilespmem:$0x43D0] =	vst v63  }
0x41: {  	s17 =	simm.s32 $0x880  }
0x42: {  	[spmem:s2] =	stream.indirect.scatter.add.f32 [tilespmem:s12], [sflag:$0x1], $0x10, s17, s13, $0xb8;
	[tilespmem:$0x43D0] =	vst v63  }
0x43: {  	s17 =	simm.s32 $0x900  }
0x44: {  	[spmem:s2] =	stream.indirect.scatter.add.f32 [tilespmem:s12], [sflag:$0x1], $0x10, s17, s13, $0xb8;
	[tilespmem:$0x43D0] =	vst v63  }
0x45: {  	s17 =	simm.s32 $0x980  }
0x46: {  	[spmem:s2] =	stream.indirect.scatter.add.f32 [tilespmem:s12], [sflag:$0x1], $0x10, s17, s13, $0xb8;
	[tilespmem:$0x43D0] =	vst v63  }
0x47: {  	s17 =	simm.s32 $0xA00  }
0x48: {  	[spmem:s2] =	stream.indirect.scatter.add.f32 [tilespmem:s12], [sflag:$0x1], $0x10, s17, s13, $0xb8;
	[tilespmem:$0x43D0] =	vst v63  }
0x49: {  	s17 =	simm.s32 $0xA80  }
0x4a: {  	[spmem:s2] =	stream.indirect.scatter.add.f32 [tilespmem:s12], [sflag:$0x1], $0x10, s17, s13, $0xb8;
	[tilespmem:$0x43D0] =	vst v63  }
0x4b: {  	s17 =	simm.s32 $0xB00  }
0x4c: {  	[spmem:s2] =	stream.indirect.scatter.add.f32 [tilespmem:s12], [sflag:$0x1], $0x10, s17, s13, $0xb8;
	[tilespmem:$0x43D0] =	vst v63  }
0x4d: {  	s17 =	simm.s32 $0xB80  }
0x4e: {  	[spmem:s2] =	stream.indirect.scatter.add.f32 [tilespmem:s12], [sflag:$0x1], $0x10, s17, s13, $0xb8;
	[tilespmem:$0x43D0] =	vst v63  }
0x4f: {  	_ = 	snop  }
0x50: {  	[spmem:s2] =	stream.indirect.scatter.add.f32 [tilespmem:s12], [sflag:$0x1], $0x10, s18, s13, $0xb8;
	[tilespmem:$0x43D0] =	vst v63  }
0x51: {  	_ = 	snop  }
0x52: {  	[spmem:s2] =	stream.indirect.scatter.add.f32 [tilespmem:s12], [sflag:$0x1], $0x10, s19, s13, $0xb8;
	[tilespmem:$0x43D0] =	vst v63  }
0x53: {  	_ = 	snop  }
0x54: {  	[spmem:s2] =	stream.indirect.scatter.add.f32 [tilespmem:s12], [sflag:$0x1], $0x10, s20, s13, $0xb8;
	[tilespmem:$0x43D0] =	vst v63  }
0x55: {  	_ = 	snop  }
0x56: {  	[spmem:s2] =	stream.indirect.scatter.add.f32 [tilespmem:s12], [sflag:$0x1], $0x10, s21, s13, $0xb8;
	[tilespmem:$0x43D0] =	vst v63  }
0x57: {  	_ = 	snop  }
0x58: {  	[spmem:s2] =	stream.indirect.scatter.add.f32 [tilespmem:s12], [sflag:$0x1], $0x10, s22, s13, $0xb8;
	[tilespmem:$0x43D0] =	vst v63  }
0x59: {  	_ = 	snop  }
0x5a: {  	[spmem:s2] =	stream.indirect.scatter.add.f32 [tilespmem:s12], [sflag:$0x1], $0x10, s23, s13, $0xb8;
	[tilespmem:$0x43D0] =	vst v63  }
0x5b: {  	_ = 	snop  }
0x5c: {  	[spmem:s2] =	stream.indirect.scatter.add.f32 [tilespmem:s12], [sflag:$0x1], $0x10, s24, s13, $0xb8;
	[tilespmem:$0x43D0] =	vst v63  }
0x5d: {  	_ = 	snop  }
0x5e: {  	[spmem:s2] =	stream.indirect.scatter.add.f32 [tilespmem:s12], [sflag:$0x1], $0x10, s25, s13, $0xb8;
	[tilespmem:$0x43D0] =	vst v63  }
0x5f: {  	_ = 	snop  }
0x60: {  	[spmem:s2] =	stream.indirect.scatter.add.f32 [tilespmem:s12], [sflag:$0x1], $0x10, s26, s13, $0xb8;
	[tilespmem:$0x43D0] =	vst v63  }
0x61: {  	_ = 	snop  }
0x62: {  	[spmem:s2] =	stream.indirect.scatter.add.f32 [tilespmem:s12], [sflag:$0x1], $0x10, s28, s13, $0xb8;
	[tilespmem:$0x43D0] =	vst v63  }
0x63: {  	_ = 	snop  }
0x64: {  	[spmem:s2] =	stream.indirect.scatter.add.f32 [tilespmem:s12], [sflag:$0x1], $0x10, s29, s13, $0xb8;
	[tilespmem:$0x43D0] =	vst v63  }
0x65: {  	_ = 	snop  }
0x66: {  	[spmem:s2] =	stream.indirect.scatter.add.f32 [tilespmem:s12], [sflag:$0x1], $0x10, s30, s13, $0xb8;
	[tilespmem:$0x43D0] =	vst v63  }
0x67: {  	_ = 	snop  }
0x68: {  	[spmem:s2] =	stream.indirect.scatter.add.f32 [tilespmem:s12], [sflag:$0x1], $0x10, s31, s13, $0xb8;
	[tilespmem:$0x43D0] =	vst v63  }
0x69: {  	_ = 	snop  }
0x6a: {  	[spmem:s2] =	stream.indirect.scatter.add.f32 [tilespmem:s12], [sflag:$0x1], $0x10, s1, s13, $0xb8;
	[tilespmem:$0x43D0] =	vst v63  }
0x6b: {  	_ = 	snop  }
0x6c: {  	[spmem:s2] =	stream.indirect.scatter.add.f32 [tilespmem:s12], [sflag:$0x1], $0x10, s0, s13, $0xb8;
	[tilespmem:$0x43D0] =	vst v63  }
0x6d: {  	_ = 	snop  }
0x6e: {  	[spmem:s2] =	stream.indirect.scatter.add.f32 [tilespmem:s12], [sflag:$0x1], $0x10, s14, s13, $0xb8;
	[tilespmem:$0x43D0] =	vst v63  }
0x6f: {  	_ =	swait.ge [sflag:s15], $0x7D0  }
0x70: {  	s17 =	simm.s32 $0x27;
	[sflag:s15] =	ssyncset.done $0x0  }
.LBB2_2:
0x71: {  	p0 =	sne.s32 s17, $0x1;
	s17 =	sadd.s32 $0xFFFFFFFF, s17;
	[sflag:s15] =	ssyncadd.s32 $0xFFFFF830  }
.Ltmp0:
0x72: {  	(pc) =	sbr.rel @p0 .LBB2_2-.Ltmp0, $3  }
0x73: {  	_ =	sdelay $0x1  }
0x74: {  	_ =	swait.ge [sflag:s15], $0x7D0  }
0x75: {  	[sflag:s15] =	ssyncset.done $0x0  }
0x76: {  	s16 =	sadd.s32 $0x1, s16  }
0x77: {  	[sflag:s15] =	ssyncadd.s32 $0xFFFFF830;
	p0 =	sne.s32 s16, s9  }
.Ltmp1:
0x78: {  	[bflag:$0x0] =	sbarrier.arrive $0xFFFF;
	(pc) =	sbr.rel @p0 .LBB2_1-.Ltmp1, $4  }
0x79: {  	[hbm:s8], [sflag:s6] =	dma.local [spmem:s10], $0x500  }
0x7a: {  	_ =	swait.ge [sflag:s11], $0x500  }
0x7b: {  	[sflag:s11] =	ssyncset.done $0x0  }
0x7c: {  	[sflag:s11] =	ssyncadd.s32 $0xFFFFFB00  }
0x7d: {  	_ =	sfence.sel $0x180000  }
0x7e: {  	[bflag:$0x0] =	sbarrier.arrive $0xFFFF  }
0x7f: {  	_ =	strace $0x90000047  }
0x80: {  	s0 =	stileid.u32;
	[bflag:$0x2] =	sbarrier.arrive $0xFFFF  }
0x81: {  	p0 =	sne.s32 s0, $0x0;
	s0 =	rddreg [dreg:$0x3]  }
0x82: {  	s0 =	sadd.s32 @!p0 $0x100000, s0  }
0x83: {  	[sflag:s0] =	ssyncadd.tile.s32 @!p0 $0x1;
	_ =	shalt  }
.Lfunc_end2:
_tile_overlayer_lowered:
.L_overlay_start_2:
0x84: {  	(tag) =	ssettag $0x2  }
0x85: {  	s0 =	rddreg [dreg:$0x0];
	s2 =	stileid.u32  }
0x86: {  	s1 =	rddreg [dreg:$0x1];
	p0 =	sne.s32 s2, $0x0  }
0x87: {  	s3 =	rddreg [dreg:$0x2];
	[bflag:$0x3] =	sbarrier.arrive $0xFFFF;
	s2 =	simm.s32 @!p0 $0x1C02  }
0x88: {  	[timem:s3], [sflag:s2] =	dma.local @!p0 [hbm:s0], s1  }
0x89: {  	s0 =	simm.s32 @!p0 $0x2  }
0x8a: {  	_ =	swait.ge @!p0 [sflag:s0], s1  }
0x8b: {  	s1 =	ssub.s32 @!p0 $0x0, s1;
	[sflag:s0] =	ssyncset.done @!p0 $0x0  }
0x8c: {  	[sflag:s0] =	ssyncadd.s32 @!p0 s1  }
0x8d: {  	[bflag:$0x3] =	sbarrier.arrive $0xFFFF  }
0x8e: {  	_ =	shalt  }

</sc_bundles>
